<compile_context>
chip_gen: v7x
topology: tpu7x:2x2x1
jax: 0.10.2.dev20260603
libtpu: 0.0.44.dev20260713+nightly
codegen_flags: <defaults>
</compile_context>

<pallas_src>
import jax
import jax.numpy as jnp
from jax import lax
from jax.experimental import pallas as pl
from jax.experimental.pallas import tpu as pltpu
from jax.experimental.pallas import tpu_sc as plsc

WEIGHT_LEN = 1_000_000
R, C = 16384, 200
N = R * C
ST = C // 8
LT = R // 128

NC, NS = 2, 16
NW = NC * NS
PER_W = N // NW
CHUNK = 12800
NCHUNK = PER_W // CHUNK

GRID = 8
LTB = LT // GRID
XB = LTB * 128


def _detile_body(idx_ref, out_ref):
    a = idx_ref[...].reshape(ST, 8, LTB, 128)
    out_ref[...] = a.transpose(0, 2, 1, 3)


def _mul_body(w_ref, x_ref, out_ref):
    g = w_ref[...].transpose(0, 2, 1, 3).reshape(C, XB)
    out_ref[...] = g * x_ref[...]


def _sc_body(idx_hbm, w_hbm, out_hbm,
             table_sh, idx0, idx1, w0, w1,
             si0, si1, sg0, sg1, so0, so1):
    idx_v = (idx0, idx1)
    w_v = (w0, w1)
    sem_i = (si0, si1)
    sem_g = (sg0, sg1)
    sem_o = (so0, so1)

    wid = lax.axis_index("s") * NC + lax.axis_index("c")
    base = wid * PER_W

    cp_i, cp_g, cp_o = {}, {}, {}

    def start_idx(i, b):
        off = base + i * CHUNK
        cp_i[b] = pltpu.async_copy(idx_hbm.at[pl.ds(off, CHUNK)], idx_v[b], sem_i[b])

    def start_gather(b):
        cp_g[b] = pltpu.async_copy(table_sh.at[idx_v[b]], w_v[b], sem_g[b])

    def start_out(i, b):
        off = base + i * CHUNK
        cp_o[b] = pltpu.async_copy(w_v[b], out_hbm.at[pl.ds(off, CHUNK)], sem_o[b])

    start_idx(0, 0)
    start_idx(1, 1)

    sid = lax.axis_index("s")

    def stage_pair(j2, carry):
        j0, j1 = 2 * j2, 2 * j2 + 1
        off0 = sid * 10_000 + j0 * 160_000
        off1 = sid * 10_000 + j1 * 160_000
        have0 = sid + NS * j0 < 100
        have1 = sid + NS * j1 < 100

        @pl.when(have0)
        def _():
            pltpu.async_copy(w_hbm.at[pl.ds(off0, 10_000)],
                             w0.at[pl.ds(0, 10_000)], sem_g[0])

        @pl.when(have1)
        def _():
            pltpu.async_copy(w_hbm.at[pl.ds(off1, 10_000)],
                             w1.at[pl.ds(0, 10_000)], sem_g[1])

        @pl.when(have0)
        def _():
            pltpu.make_async_copy(w_hbm.at[pl.ds(0, 10_000)],
                                  w0.at[pl.ds(0, 10_000)], sem_g[0]).wait()
            pltpu.async_copy(w0.at[pl.ds(0, 10_000)],
                             table_sh.at[pl.ds(off0, 10_000)], sem_o[0])

        @pl.when(have1)
        def _():
            pltpu.make_async_copy(w_hbm.at[pl.ds(0, 10_000)],
                                  w1.at[pl.ds(0, 10_000)], sem_g[1]).wait()
            pltpu.async_copy(w1.at[pl.ds(0, 10_000)],
                             table_sh.at[pl.ds(off1, 10_000)], sem_o[1])

        @pl.when(have0)
        def _():
            pltpu.make_async_copy(w0.at[pl.ds(0, 10_000)],
                                  table_sh.at[pl.ds(off0, 10_000)], sem_o[0]).wait()

        @pl.when(have1)
        def _():
            pltpu.make_async_copy(w1.at[pl.ds(0, 10_000)],
                                  table_sh.at[pl.ds(off1, 10_000)], sem_o[1]).wait()

        return carry

    lax.fori_loop(0, 4, stage_pair, 0)

    plsc.subcore_barrier()

    for i in range(NCHUNK):
        b, pb = i % 2, (i - 1) % 2
        cp_i[b].wait()
        if i >= 2:
            cp_o[b].wait()
        start_gather(b)
        if i >= 1:
            cp_g[pb].wait()
            start_out(i - 1, pb)
        if 1 <= i and i + 1 < NCHUNK:
            start_idx(i + 1, pb)
    b = (NCHUNK - 1) % 2
    cp_g[b].wait()
    start_out(NCHUNK - 1, b)
    cp_o[1 - b].wait()
    cp_o[b].wait()


@jax.jit
def _run(x, idx, weight):
    xt = x.T
    idxt = idx.T

    idx_t = pl.pallas_call(
        _detile_body,
        grid=(GRID,),
        in_specs=[pl.BlockSpec((C, XB), lambda i: (0, i))],
        out_specs=pl.BlockSpec((ST, LTB, 8, 128), lambda i: (0, i, 0, 0)),
        out_shape=jax.ShapeDtypeStruct((ST, LT, 8, 128), jnp.int32),
    )(idxt)

    mesh = plsc.VectorSubcoreMesh(
        core_axis_name="c", subcore_axis_name="s", num_cores=NC, num_subcores=NS
    )
    w_lin = pl.kernel(
        _sc_body,
        out_type=jax.ShapeDtypeStruct((N,), jnp.float32),
        mesh=mesh,
        scratch_types=[
            pltpu.VMEM_SHARED((WEIGHT_LEN,), jnp.float32),
            pltpu.VMEM((CHUNK,), jnp.int32),
            pltpu.VMEM((CHUNK,), jnp.int32),
            pltpu.VMEM((CHUNK,), jnp.float32),
            pltpu.VMEM((CHUNK,), jnp.float32),
        ] + [pltpu.SemaphoreType.DMA] * 6,
    )(idx_t.reshape(N), weight)

    out_t = pl.pallas_call(
        _mul_body,
        grid=(GRID,),
        in_specs=[
            pl.BlockSpec((ST, LTB, 8, 128), lambda i: (0, i, 0, 0)),
            pl.BlockSpec((C, XB), lambda i: (0, i)),
        ],
        out_specs=pl.BlockSpec((C, XB), lambda i: (0, i)),
        out_shape=jax.ShapeDtypeStruct((C, R), jnp.float32),
    )(w_lin.reshape(ST, LT, 8, 128), xt)

    return out_t.T


def kernel(x, index, weight):
    return _run(x, index.astype(jnp.int32), weight)

# --- scband reference (transcript-rebuilt; emitter-appended) ---
"""Pipeline reference for scband-weight-selection-9586367005261 (READ-ONLY COPY).

The authoritative reference and input builder live on the scoring server;
editing this copy changes nothing except your own understanding.
"""

import jax, jax.numpy as jnp
import numpy as np

WEIGHT_LEN = 1000000

def setup_inputs(seed: int = 0) -> dict:
    key = jax.random.key(seed)
    k_x, k_idx = jax.random.split(key, 2)
    x = jax.random.normal(k_x, (16384, 200), dtype=jnp.float32)
    index = jax.random.randint(k_idx, (16384, 200), 0, WEIGHT_LEN, dtype=jnp.int64)
    weight = jnp.ones((WEIGHT_LEN,), dtype=jnp.float32)
    return {"x": x, "index": index, "weight": weight}

def reference(x, index, weight):
    # Faithful translation of Weight_Selection.forward: self.weight[index] * x
    gathered = jnp.take(weight, index, axis=0)
    return gathered * x

if __name__ == "__main__":
    import jax
    _d = setup_inputs()
    print(jax.jit(kernel)(*tuple(_d.values())))

</pallas_src>

<mosaic_0001>
#map = affine_map<(d0, d1) -> (0)>
module attributes {stable_mosaic.version = 14 : i64} {
  func.func @_sc_body(%arg0: i32, %arg1: i32, %arg2: memref<3276800xi32, #tpu.memory_space<hbm>>, %arg3: memref<1000000xf32, #tpu.memory_space<hbm>>, %arg4: memref<3276800xf32, #tpu.memory_space<hbm>>, %arg5: memref<1000000xf32, #tpu.memory_space<vmem_shared>>, %arg6: memref<12800xi32, #tpu.memory_space<vmem>>, %arg7: memref<12800xi32, #tpu.memory_space<vmem>>, %arg8: memref<12800xf32, #tpu.memory_space<vmem>>, %arg9: memref<12800xf32, #tpu.memory_space<vmem>>, %arg10: memref<!tpu.dma_semaphore, #tpu.memory_space<semaphore_mem>>, %arg11: memref<!tpu.dma_semaphore, #tpu.memory_space<semaphore_mem>>, %arg12: memref<!tpu.dma_semaphore, #tpu.memory_space<semaphore_mem>>, %arg13: memref<!tpu.dma_semaphore, #tpu.memory_space<semaphore_mem>>, %arg14: memref<!tpu.dma_semaphore, #tpu.memory_space<semaphore_mem>>, %arg15: memref<!tpu.dma_semaphore, #tpu.memory_space<semaphore_mem>>) attributes {dimension_semantics = [#tpu.dimension_semantics<core_parallel>, #tpu.dimension_semantics<subcore_parallel>], iteration_bounds = array<i64: 2, 16>, scalar_prefetch = 0 : i64, scratch_operands = 11 : i64, tpu.core_type = #tpu.core_type<sc_vector_subcore>, window_params = [{transform_indices = #map}, {transform_indices = #map}, {transform_indices = #map}]} {
    %mul3A = arith.constant 2 : i32
    %mul3A_0 = arith.muli %arg1, %mul3A : i32
    %add3A = arith.addi %mul3A_0, %arg0 : i32
    %mul3A_1 = arith.constant 102400 : i32
    %mul3A_2 = arith.muli %add3A, %mul3A_1 : i32
    %add3A_3 = arith.constant 0 : i32
    %add3A_4 = arith.addi %mul3A_2, %add3A_3 : i32
    %dma_start3A = tpu.memref_slice %arg2[%add3A_4] : memref<3276800xi32, #tpu.memory_space<hbm>> -> memref<12800xi32, #tpu.memory_space<hbm>>
    %dma_start3A_5 = tpu.memref_slice %arg2[%add3A_4] : memref<3276800xi32, #tpu.memory_space<hbm>> -> memref<12800xi32, #tpu.memory_space<hbm>>
    tpu.enqueue_dma source(%dma_start3A_5 : memref<12800xi32, #tpu.memory_space<hbm>>) target(%arg6 : memref<12800xi32, #tpu.memory_space<vmem>>) target_semaphore(%arg10 : memref<!tpu.dma_semaphore, #tpu.memory_space<semaphore_mem>>)
    %add3A_6 = arith.constant 12800 : i32
    %add3A_7 = arith.addi %mul3A_2, %add3A_6 : i32
    %dma_start3A_8 = tpu.memref_slice %arg2[%add3A_7] : memref<3276800xi32, #tpu.memory_space<hbm>> -> memref<12800xi32, #tpu.memory_space<hbm>>
    %dma_start3A_9 = tpu.memref_slice %arg2[%add3A_7] : memref<3276800xi32, #tpu.memory_space<hbm>> -> memref<12800xi32, #tpu.memory_space<hbm>>
    tpu.enqueue_dma source(%dma_start3A_9 : memref<12800xi32, #tpu.memory_space<hbm>>) target(%arg7 : memref<12800xi32, #tpu.memory_space<vmem>>) target_semaphore(%arg11 : memref<!tpu.dma_semaphore, #tpu.memory_space<semaphore_mem>>)
    %scan3A = arith.constant 0 : i32
    %scan3A_10 = arith.constant 0 : i32
    %scan3A_11 = arith.constant 4 : i32
    %scan3A_12 = arith.addi %scan3A_10, %scan3A_11 : i32
    %scan3A_13 = arith.constant 1 : i32
    scf.for %scan3A_134 = %scan3A_10 to %scan3A_12 step %scan3A_13  : i32 {
      %mul3A_135 = arith.constant 2 : i32
      %mul3A_136 = arith.muli %mul3A_135, %scan3A_134 : i32
      %mul3A_137 = arith.constant 2 : i32
      %mul3A_138 = arith.muli %mul3A_137, %scan3A_134 : i32
      %add3A_139 = arith.constant 1 : i32
      %add3A_140 = arith.addi %mul3A_138, %add3A_139 : i32
      %mul3A_141 = arith.constant 10000 : i32
      %mul3A_142 = arith.muli %arg1, %mul3A_141 : i32
      %mul3A_143 = arith.constant 160000 : i32
      %mul3A_144 = arith.muli %mul3A_136, %mul3A_143 : i32
      %add3A_145 = arith.addi %mul3A_142, %mul3A_144 : i32
      %mul3A_146 = arith.constant 10000 : i32
      %mul3A_147 = arith.muli %arg1, %mul3A_146 : i32
      %mul3A_148 = arith.constant 160000 : i32
      %mul3A_149 = arith.muli %add3A_140, %mul3A_148 : i32
      %add3A_150 = arith.addi %mul3A_147, %mul3A_149 : i32
      %mul3A_151 = arith.constant 16 : i32
      %mul3A_152 = arith.muli %mul3A_151, %mul3A_136 : i32
      %add3A_153 = arith.addi %arg1, %mul3A_152 : i32
      %lt3A = arith.constant 100 : i32
      %lt3A_154 = arith.cmpi slt, %add3A_153, %lt3A : i32
      %mul3A_155 = arith.constant 16 : i32
      %mul3A_156 = arith.muli %mul3A_155, %add3A_140 : i32
      %add3A_157 = arith.addi %arg1, %mul3A_156 : i32
      %lt3A_158 = arith.constant 100 : i32
      %lt3A_159 = arith.cmpi slt, %add3A_157, %lt3A_158 : i32
      %convert_element_type3A = arith.extui %lt3A_154 : i1 to i32
      %cond3A = arith.constant 0 : i32
      %cond3A_160 = arith.cmpi ne, %convert_element_type3A, %cond3A : i32
      scf.if %cond3A_160 {
        %dma_start3A_176 = arith.constant 0 : i32
        %dma_start3A_177 = tpu.memref_slice %arg8[%dma_start3A_176] : memref<12800xf32, #tpu.memory_space<vmem>> -> memref<10000xf32, #tpu.memory_space<vmem>>
        %dma_start3A_178 = tpu.memref_slice %arg3[%add3A_145] : memref<1000000xf32, #tpu.memory_space<hbm>> -> memref<10000xf32, #tpu.memory_space<hbm>>
        %dma_start3A_179 = arith.constant 0 : i32
        %dma_start3A_180 = tpu.memref_slice %arg8[%dma_start3A_179] : memref<12800xf32, #tpu.memory_space<vmem>> -> memref<10000xf32, #tpu.memory_space<vmem>>
        %dma_start3A_181 = tpu.memref_slice %arg3[%add3A_145] : memref<1000000xf32, #tpu.memory_space<hbm>> -> memref<10000xf32, #tpu.memory_space<hbm>>
        tpu.enqueue_dma source(%dma_start3A_181 : memref<10000xf32, #tpu.memory_space<hbm>>) target(%dma_start3A_180 : memref<10000xf32, #tpu.memory_space<vmem>>) target_semaphore(%arg12 : memref<!tpu.dma_semaphore, #tpu.memory_space<semaphore_mem>>)
      } else {
      }
      %convert_element_type3A_161 = arith.extui %lt3A_159 : i1 to i32
      %cond3A_162 = arith.constant 0 : i32
      %cond3A_163 = arith.cmpi ne, %convert_element_type3A_161, %cond3A_162 : i32
      scf.if %cond3A_163 {
        %dma_start3A_176 = arith.constant 0 : i32
        %dma_start3A_177 = tpu.memref_slice %arg9[%dma_start3A_176] : memref<12800xf32, #tpu.memory_space<vmem>> -> memref<10000xf32, #tpu.memory_space<vmem>>
        %dma_start3A_178 = tpu.memref_slice %arg3[%add3A_150] : memref<1000000xf32, #tpu.memory_space<hbm>> -> memref<10000xf32, #tpu.memory_space<hbm>>
        %dma_start3A_179 = arith.constant 0 : i32
        %dma_start3A_180 = tpu.memref_slice %arg9[%dma_start3A_179] : memref<12800xf32, #tpu.memory_space<vmem>> -> memref<10000xf32, #tpu.memory_space<vmem>>
        %dma_start3A_181 = tpu.memref_slice %arg3[%add3A_150] : memref<1000000xf32, #tpu.memory_space<hbm>> -> memref<10000xf32, #tpu.memory_space<hbm>>
        tpu.enqueue_dma source(%dma_start3A_181 : memref<10000xf32, #tpu.memory_space<hbm>>) target(%dma_start3A_180 : memref<10000xf32, #tpu.memory_space<vmem>>) target_semaphore(%arg13 : memref<!tpu.dma_semaphore, #tpu.memory_space<semaphore_mem>>)
      } else {
      }
      %convert_element_type3A_164 = arith.extui %lt3A_154 : i1 to i32
      %cond3A_165 = arith.constant 0 : i32
      %cond3A_166 = arith.cmpi ne, %convert_element_type3A_164, %cond3A_165 : i32
      scf.if %cond3A_166 {
        %dma_wait3A_176 = arith.constant 0 : i32
        %dma_wait3A_177 = tpu.memref_slice %arg8[%dma_wait3A_176] : memref<12800xf32, #tpu.memory_space<vmem>> -> memref<10000xf32, #tpu.memory_space<vmem>>
        %dma_wait3A_178 = arith.constant 0 : i32
        %dma_wait3A_179 = tpu.memref_slice %arg3[%dma_wait3A_178] : memref<1000000xf32, #tpu.memory_space<hbm>> -> memref<10000xf32, #tpu.memory_space<hbm>>
        %dma_wait3A_180 = arith.constant 0 : i32
        %dma_wait3A_181 = tpu.memref_slice %arg8[%dma_wait3A_180] : memref<12800xf32, #tpu.memory_space<vmem>> -> memref<10000xf32, #tpu.memory_space<vmem>>
        %dma_wait3A_182 = arith.constant 0 : i32
        %dma_wait3A_183 = tpu.memref_slice %arg3[%dma_wait3A_182] : memref<1000000xf32, #tpu.memory_space<hbm>> -> memref<10000xf32, #tpu.memory_space<hbm>>
        tpu.wait_dma2 semaphore(%arg12 : memref<!tpu.dma_semaphore, #tpu.memory_space<semaphore_mem>>) src(%dma_wait3A_183 : memref<10000xf32, #tpu.memory_space<hbm>>) dst(%dma_wait3A_181 : memref<10000xf32, #tpu.memory_space<vmem>>)
        %dma_start3A_184 = arith.constant 0 : i32
        %dma_start3A_185 = tpu.memref_slice %arg8[%dma_start3A_184] : memref<12800xf32, #tpu.memory_space<vmem>> -> memref<10000xf32, #tpu.memory_space<vmem>>
        %dma_start3A_186 = tpu.memref_slice %arg5[%add3A_145] : memref<1000000xf32, #tpu.memory_space<vmem_shared>> -> memref<10000xf32, #tpu.memory_space<vmem_shared>>
        %dma_start3A_187 = tpu.memref_slice %arg5[%add3A_145] : memref<1000000xf32, #tpu.memory_space<vmem_shared>> -> memref<10000xf32, #tpu.memory_space<vmem_shared>>
        %dma_start3A_188 = arith.constant 0 : i32
        %dma_start3A_189 = tpu.memref_slice %arg8[%dma_start3A_188] : memref<12800xf32, #tpu.memory_space<vmem>> -> memref<10000xf32, #tpu.memory_space<vmem>>
        tpu.enqueue_dma source(%dma_start3A_189 : memref<10000xf32, #tpu.memory_space<vmem>>) target(%dma_start3A_187 : memref<10000xf32, #tpu.memory_space<vmem_shared>>) target_semaphore(%arg14 : memref<!tpu.dma_semaphore, #tpu.memory_space<semaphore_mem>>)
      } else {
      }
      %convert_element_type3A_167 = arith.extui %lt3A_159 : i1 to i32
      %cond3A_168 = arith.constant 0 : i32
      %cond3A_169 = arith.cmpi ne, %convert_element_type3A_167, %cond3A_168 : i32
      scf.if %cond3A_169 {
        %dma_wait3A_176 = arith.constant 0 : i32
        %dma_wait3A_177 = tpu.memref_slice %arg9[%dma_wait3A_176] : memref<12800xf32, #tpu.memory_space<vmem>> -> memref<10000xf32, #tpu.memory_space<vmem>>
        %dma_wait3A_178 = arith.constant 0 : i32
        %dma_wait3A_179 = tpu.memref_slice %arg3[%dma_wait3A_178] : memref<1000000xf32, #tpu.memory_space<hbm>> -> memref<10000xf32, #tpu.memory_space<hbm>>
        %dma_wait3A_180 = arith.constant 0 : i32
        %dma_wait3A_181 = tpu.memref_slice %arg9[%dma_wait3A_180] : memref<12800xf32, #tpu.memory_space<vmem>> -> memref<10000xf32, #tpu.memory_space<vmem>>
        %dma_wait3A_182 = arith.constant 0 : i32
        %dma_wait3A_183 = tpu.memref_slice %arg3[%dma_wait3A_182] : memref<1000000xf32, #tpu.memory_space<hbm>> -> memref<10000xf32, #tpu.memory_space<hbm>>
        tpu.wait_dma2 semaphore(%arg13 : memref<!tpu.dma_semaphore, #tpu.memory_space<semaphore_mem>>) src(%dma_wait3A_183 : memref<10000xf32, #tpu.memory_space<hbm>>) dst(%dma_wait3A_181 : memref<10000xf32, #tpu.memory_space<vmem>>)
        %dma_start3A_184 = arith.constant 0 : i32
        %dma_start3A_185 = tpu.memref_slice %arg9[%dma_start3A_184] : memref<12800xf32, #tpu.memory_space<vmem>> -> memref<10000xf32, #tpu.memory_space<vmem>>
        %dma_start3A_186 = tpu.memref_slice %arg5[%add3A_150] : memref<1000000xf32, #tpu.memory_space<vmem_shared>> -> memref<10000xf32, #tpu.memory_space<vmem_shared>>
        %dma_start3A_187 = tpu.memref_slice %arg5[%add3A_150] : memref<1000000xf32, #tpu.memory_space<vmem_shared>> -> memref<10000xf32, #tpu.memory_space<vmem_shared>>
        %dma_start3A_188 = arith.constant 0 : i32
        %dma_start3A_189 = tpu.memref_slice %arg9[%dma_start3A_188] : memref<12800xf32, #tpu.memory_space<vmem>> -> memref<10000xf32, #tpu.memory_space<vmem>>
        tpu.enqueue_dma source(%dma_start3A_189 : memref<10000xf32, #tpu.memory_space<vmem>>) target(%dma_start3A_187 : memref<10000xf32, #tpu.memory_space<vmem_shared>>) target_semaphore(%arg15 : memref<!tpu.dma_semaphore, #tpu.memory_space<semaphore_mem>>)
      } else {
      }
      %convert_element_type3A_170 = arith.extui %lt3A_154 : i1 to i32
      %cond3A_171 = arith.constant 0 : i32
      %cond3A_172 = arith.cmpi ne, %convert_element_type3A_170, %cond3A_171 : i32
      scf.if %cond3A_172 {
        %dma_wait3A_176 = arith.constant 0 : i32
        %dma_wait3A_177 = tpu.memref_slice %arg8[%dma_wait3A_176] : memref<12800xf32, #tpu.memory_space<vmem>> -> memref<10000xf32, #tpu.memory_space<vmem>>
        %dma_wait3A_178 = tpu.memref_slice %arg5[%add3A_145] : memref<1000000xf32, #tpu.memory_space<vmem_shared>> -> memref<10000xf32, #tpu.memory_space<vmem_shared>>
        %dma_wait3A_179 = tpu.memref_slice %arg5[%add3A_145] : memref<1000000xf32, #tpu.memory_space<vmem_shared>> -> memref<10000xf32, #tpu.memory_space<vmem_shared>>
        %dma_wait3A_180 = arith.constant 0 : i32
        %dma_wait3A_181 = tpu.memref_slice %arg8[%dma_wait3A_180] : memref<12800xf32, #tpu.memory_space<vmem>> -> memref<10000xf32, #tpu.memory_space<vmem>>
        tpu.wait_dma2 semaphore(%arg14 : memref<!tpu.dma_semaphore, #tpu.memory_space<semaphore_mem>>) src(%dma_wait3A_181 : memref<10000xf32, #tpu.memory_space<vmem>>) dst(%dma_wait3A_179 : memref<10000xf32, #tpu.memory_space<vmem_shared>>)
      } else {
      }
      %convert_element_type3A_173 = arith.extui %lt3A_159 : i1 to i32
      %cond3A_174 = arith.constant 0 : i32
      %cond3A_175 = arith.cmpi ne, %convert_element_type3A_173, %cond3A_174 : i32
      scf.if %cond3A_175 {
        %dma_wait3A_176 = arith.constant 0 : i32
        %dma_wait3A_177 = tpu.memref_slice %arg9[%dma_wait3A_176] : memref<12800xf32, #tpu.memory_space<vmem>> -> memref<10000xf32, #tpu.memory_space<vmem>>
        %dma_wait3A_178 = tpu.memref_slice %arg5[%add3A_150] : memref<1000000xf32, #tpu.memory_space<vmem_shared>> -> memref<10000xf32, #tpu.memory_space<vmem_shared>>
        %dma_wait3A_179 = tpu.memref_slice %arg5[%add3A_150] : memref<1000000xf32, #tpu.memory_space<vmem_shared>> -> memref<10000xf32, #tpu.memory_space<vmem_shared>>
        %dma_wait3A_180 = arith.constant 0 : i32
        %dma_wait3A_181 = tpu.memref_slice %arg9[%dma_wait3A_180] : memref<12800xf32, #tpu.memory_space<vmem>> -> memref<10000xf32, #tpu.memory_space<vmem>>
        tpu.wait_dma2 semaphore(%arg15 : memref<!tpu.dma_semaphore, #tpu.memory_space<semaphore_mem>>) src(%dma_wait3A_181 : memref<10000xf32, #tpu.memory_space<vmem>>) dst(%dma_wait3A_179 : memref<10000xf32, #tpu.memory_space<vmem_shared>>)
      } else {
      }
    }
    %scan3A_14 = arith.constant 4 : i32
    %barrier3A = arith.constant 0 : index
    tpu.barrier barrier_id(%barrier3A)
    %dma_wait3A = tpu.memref_slice %arg2[%add3A_4] : memref<3276800xi32, #tpu.memory_space<hbm>> -> memref<12800xi32, #tpu.memory_space<hbm>>
    %dma_wait3A_15 = tpu.memref_slice %arg2[%add3A_4] : memref<3276800xi32, #tpu.memory_space<hbm>> -> memref<12800xi32, #tpu.memory_space<hbm>>
    tpu.wait_dma2 semaphore(%arg10 : memref<!tpu.dma_semaphore, #tpu.memory_space<semaphore_mem>>) src(%dma_wait3A_15 : memref<12800xi32, #tpu.memory_space<hbm>>) dst(%arg6 : memref<12800xi32, #tpu.memory_space<vmem>>)
    %dma_start3A_16 = arith.constant 0 : i32
    %dma_start3A_17 = tpu.memref_slice %arg5[%dma_start3A_16] : memref<1000000xf32, #tpu.memory_space<vmem_shared>> -> memref<1000000xf32, #tpu.memory_space<vmem_shared>>
    tpu.enqueue_indirect_dma source(%dma_start3A_17 : memref<1000000xf32, #tpu.memory_space<vmem_shared>>) target(%arg8 : memref<12800xf32, #tpu.memory_space<vmem>>) offsets(%arg6 : memref<12800xi32, #tpu.memory_space<vmem>>) semaphore(%arg12 : memref<!tpu.dma_semaphore, #tpu.memory_space<semaphore_mem>>)
    %dma_wait3A_18 = tpu.memref_slice %arg2[%add3A_7] : memref<3276800xi32, #tpu.memory_space<hbm>> -> memref<12800xi32, #tpu.memory_space<hbm>>
    %dma_wait3A_19 = tpu.memref_slice %arg2[%add3A_7] : memref<3276800xi32, #tpu.memory_space<hbm>> -> memref<12800xi32, #tpu.memory_space<hbm>>
    tpu.wait_dma2 semaphore(%arg11 : memref<!tpu.dma_semaphore, #tpu.memory_space<semaphore_mem>>) src(%dma_wait3A_19 : memref<12800xi32, #tpu.memory_space<hbm>>) dst(%arg7 : memref<12800xi32, #tpu.memory_space<vmem>>)
    %dma_start3A_20 = arith.constant 0 : i32
    %dma_start3A_21 = tpu.memref_slice %arg5[%dma_start3A_20] : memref<1000000xf32, #tpu.memory_space<vmem_shared>> -> memref<1000000xf32, #tpu.memory_space<vmem_shared>>
    tpu.enqueue_indirect_dma source(%dma_start3A_21 : memref<1000000xf32, #tpu.memory_space<vmem_shared>>) target(%arg9 : memref<12800xf32, #tpu.memory_space<vmem>>) offsets(%arg7 : memref<12800xi32, #tpu.memory_space<vmem>>) semaphore(%arg13 : memref<!tpu.dma_semaphore, #tpu.memory_space<semaphore_mem>>)
    %dma_wait3A_22 = arith.constant 0 : i32
    %dma_wait3A_23 = tpu.memref_slice %arg5[%dma_wait3A_22] : memref<1000000xf32, #tpu.memory_space<vmem_shared>> -> memref<1000000xf32, #tpu.memory_space<vmem_shared>>
    tpu.wait_indirect_dma semaphore(%arg12 : memref<!tpu.dma_semaphore, #tpu.memory_space<semaphore_mem>>) src(%dma_wait3A_23 : memref<1000000xf32, #tpu.memory_space<vmem_shared>>) dst(%arg8 : memref<12800xf32, #tpu.memory_space<vmem>>)
    %add3A_24 = arith.constant 0 : i32
    %add3A_25 = arith.addi %mul3A_2, %add3A_24 : i32
    %dma_start3A_26 = tpu.memref_slice %arg4[%add3A_25] : memref<3276800xf32, #tpu.memory_space<hbm>> -> memref<12800xf32, #tpu.memory_space<hbm>>
    %dma_start3A_27 = tpu.memref_slice %arg4[%add3A_25] : memref<3276800xf32, #tpu.memory_space<hbm>> -> memref<12800xf32, #tpu.memory_space<hbm>>
    tpu.enqueue_dma source(%arg8 : memref<12800xf32, #tpu.memory_space<vmem>>) target(%dma_start3A_27 : memref<12800xf32, #tpu.memory_space<hbm>>) target_semaphore(%arg14 : memref<!tpu.dma_semaphore, #tpu.memory_space<semaphore_mem>>)
    %add3A_28 = arith.constant 25600 : i32
    %add3A_29 = arith.addi %mul3A_2, %add3A_28 : i32
    %dma_start3A_30 = tpu.memref_slice %arg2[%add3A_29] : memref<3276800xi32, #tpu.memory_space<hbm>> -> memref<12800xi32, #tpu.memory_space<hbm>>
    %dma_start3A_31 = tpu.memref_slice %arg2[%add3A_29] : memref<3276800xi32, #tpu.memory_space<hbm>> -> memref<12800xi32, #tpu.memory_space<hbm>>
    tpu.enqueue_dma source(%dma_start3A_31 : memref<12800xi32, #tpu.memory_space<hbm>>) target(%arg6 : memref<12800xi32, #tpu.memory_space<vmem>>) target_semaphore(%arg10 : memref<!tpu.dma_semaphore, #tpu.memory_space<semaphore_mem>>)
    %dma_wait3A_32 = tpu.memref_slice %arg2[%add3A_29] : memref<3276800xi32, #tpu.memory_space<hbm>> -> memref<12800xi32, #tpu.memory_space<hbm>>
    %dma_wait3A_33 = tpu.memref_slice %arg2[%add3A_29] : memref<3276800xi32, #tpu.memory_space<hbm>> -> memref<12800xi32, #tpu.memory_space<hbm>>
    tpu.wait_dma2 semaphore(%arg10 : memref<!tpu.dma_semaphore, #tpu.memory_space<semaphore_mem>>) src(%dma_wait3A_33 : memref<12800xi32, #tpu.memory_space<hbm>>) dst(%arg6 : memref<12800xi32, #tpu.memory_space<vmem>>)
    %dma_wait3A_34 = tpu.memref_slice %arg4[%add3A_25] : memref<3276800xf32, #tpu.memory_space<hbm>> -> memref<12800xf32, #tpu.memory_space<hbm>>
    %dma_wait3A_35 = tpu.memref_slice %arg4[%add3A_25] : memref<3276800xf32, #tpu.memory_space<hbm>> -> memref<12800xf32, #tpu.memory_space<hbm>>
    tpu.wait_dma2 semaphore(%arg14 : memref<!tpu.dma_semaphore, #tpu.memory_space<semaphore_mem>>) src(%arg8 : memref<12800xf32, #tpu.memory_space<vmem>>) dst(%dma_wait3A_35 : memref<12800xf32, #tpu.memory_space<hbm>>)
    %dma_start3A_36 = arith.constant 0 : i32
    %dma_start3A_37 = tpu.memref_slice %arg5[%dma_start3A_36] : memref<1000000xf32, #tpu.memory_space<vmem_shared>> -> memref<1000000xf32, #tpu.memory_space<vmem_shared>>
    tpu.enqueue_indirect_dma source(%dma_start3A_37 : memref<1000000xf32, #tpu.memory_space<vmem_shared>>) target(%arg8 : memref<12800xf32, #tpu.memory_space<vmem>>) offsets(%arg6 : memref<12800xi32, #tpu.memory_space<vmem>>) semaphore(%arg12 : memref<!tpu.dma_semaphore, #tpu.memory_space<semaphore_mem>>)
    %dma_wait3A_38 = arith.constant 0 : i32
    %dma_wait3A_39 = tpu.memref_slice %arg5[%dma_wait3A_38] : memref<1000000xf32, #tpu.memory_space<vmem_shared>> -> memref<1000000xf32, #tpu.memory_space<vmem_shared>>
    tpu.wait_indirect_dma semaphore(%arg13 : memref<!tpu.dma_semaphore, #tpu.memory_space<semaphore_mem>>) src(%dma_wait3A_39 : memref<1000000xf32, #tpu.memory_space<vmem_shared>>) dst(%arg9 : memref<12800xf32, #tpu.memory_space<vmem>>)
    %add3A_40 = arith.constant 12800 : i32
    %add3A_41 = arith.addi %mul3A_2, %add3A_40 : i32
    %dma_start3A_42 = tpu.memref_slice %arg4[%add3A_41] : memref<3276800xf32, #tpu.memory_space<hbm>> -> memref<12800xf32, #tpu.memory_space<hbm>>
    %dma_start3A_43 = tpu.memref_slice %arg4[%add3A_41] : memref<3276800xf32, #tpu.memory_space<hbm>> -> memref<12800xf32, #tpu.memory_space<hbm>>
    tpu.enqueue_dma source(%arg9 : memref<12800xf32, #tpu.memory_space<vmem>>) target(%dma_start3A_43 : memref<12800xf32, #tpu.memory_space<hbm>>) target_semaphore(%arg15 : memref<!tpu.dma_semaphore, #tpu.memory_space<semaphore_mem>>)
    %add3A_44 = arith.constant 38400 : i32
    %add3A_45 = arith.addi %mul3A_2, %add3A_44 : i32
    %dma_start3A_46 = tpu.memref_slice %arg2[%add3A_45] : memref<3276800xi32, #tpu.memory_space<hbm>> -> memref<12800xi32, #tpu.memory_space<hbm>>
    %dma_start3A_47 = tpu.memref_slice %arg2[%add3A_45] : memref<3276800xi32, #tpu.memory_space<hbm>> -> memref<12800xi32, #tpu.memory_space<hbm>>
    tpu.enqueue_dma source(%dma_start3A_47 : memref<12800xi32, #tpu.memory_space<hbm>>) target(%arg7 : memref<12800xi32, #tpu.memory_space<vmem>>) target_semaphore(%arg11 : memref<!tpu.dma_semaphore, #tpu.memory_space<semaphore_mem>>)
    %dma_wait3A_48 = tpu.memref_slice %arg2[%add3A_45] : memref<3276800xi32, #tpu.memory_space<hbm>> -> memref<12800xi32, #tpu.memory_space<hbm>>
    %dma_wait3A_49 = tpu.memref_slice %arg2[%add3A_45] : memref<3276800xi32, #tpu.memory_space<hbm>> -> memref<12800xi32, #tpu.memory_space<hbm>>
    tpu.wait_dma2 semaphore(%arg11 : memref<!tpu.dma_semaphore, #tpu.memory_space<semaphore_mem>>) src(%dma_wait3A_49 : memref<12800xi32, #tpu.memory_space<hbm>>) dst(%arg7 : memref<12800xi32, #tpu.memory_space<vmem>>)
    %dma_wait3A_50 = tpu.memref_slice %arg4[%add3A_41] : memref<3276800xf32, #tpu.memory_space<hbm>> -> memref<12800xf32, #tpu.memory_space<hbm>>
    %dma_wait3A_51 = tpu.memref_slice %arg4[%add3A_41] : memref<3276800xf32, #tpu.memory_space<hbm>> -> memref<12800xf32, #tpu.memory_space<hbm>>
    tpu.wait_dma2 semaphore(%arg15 : memref<!tpu.dma_semaphore, #tpu.memory_space<semaphore_mem>>) src(%arg9 : memref<12800xf32, #tpu.memory_space<vmem>>) dst(%dma_wait3A_51 : memref<12800xf32, #tpu.memory_space<hbm>>)
    %dma_start3A_52 = arith.constant 0 : i32
    %dma_start3A_53 = tpu.memref_slice %arg5[%dma_start3A_52] : memref<1000000xf32, #tpu.memory_space<vmem_shared>> -> memref<1000000xf32, #tpu.memory_space<vmem_shared>>
    tpu.enqueue_indirect_dma source(%dma_start3A_53 : memref<1000000xf32, #tpu.memory_space<vmem_shared>>) target(%arg9 : memref<12800xf32, #tpu.memory_space<vmem>>) offsets(%arg7 : memref<12800xi32, #tpu.memory_space<vmem>>) semaphore(%arg13 : memref<!tpu.dma_semaphore, #tpu.memory_space<semaphore_mem>>)
    %dma_wait3A_54 = arith.constant 0 : i32
    %dma_wait3A_55 = tpu.memref_slice %arg5[%dma_wait3A_54] : memref<1000000xf32, #tpu.memory_space<vmem_shared>> -> memref<1000000xf32, #tpu.memory_space<vmem_shared>>
    tpu.wait_indirect_dma semaphore(%arg12 : memref<!tpu.dma_semaphore, #tpu.memory_space<semaphore_mem>>) src(%dma_wait3A_55 : memref<1000000xf32, #tpu.memory_space<vmem_shared>>) dst(%arg8 : memref<12800xf32, #tpu.memory_space<vmem>>)
    %add3A_56 = arith.constant 25600 : i32
    %add3A_57 = arith.addi %mul3A_2, %add3A_56 : i32
    %dma_start3A_58 = tpu.memref_slice %arg4[%add3A_57] : memref<3276800xf32, #tpu.memory_space<hbm>> -> memref<12800xf32, #tpu.memory_space<hbm>>
    %dma_start3A_59 = tpu.memref_slice %arg4[%add3A_57] : memref<3276800xf32, #tpu.memory_space<hbm>> -> memref<12800xf32, #tpu.memory_space<hbm>>
    tpu.enqueue_dma source(%arg8 : memref<12800xf32, #tpu.memory_space<vmem>>) target(%dma_start3A_59 : memref<12800xf32, #tpu.memory_space<hbm>>) target_semaphore(%arg14 : memref<!tpu.dma_semaphore, #tpu.memory_space<semaphore_mem>>)
    %add3A_60 = arith.constant 51200 : i32
    %add3A_61 = arith.addi %mul3A_2, %add3A_60 : i32
    %dma_start3A_62 = tpu.memref_slice %arg2[%add3A_61] : memref<3276800xi32, #tpu.memory_space<hbm>> -> memref<12800xi32, #tpu.memory_space<hbm>>
    %dma_start3A_63 = tpu.memref_slice %arg2[%add3A_61] : memref<3276800xi32, #tpu.memory_space<hbm>> -> memref<12800xi32, #tpu.memory_space<hbm>>
    tpu.enqueue_dma source(%dma_start3A_63 : memref<12800xi32, #tpu.memory_space<hbm>>) target(%arg6 : memref<12800xi32, #tpu.memory_space<vmem>>) target_semaphore(%arg10 : memref<!tpu.dma_semaphore, #tpu.memory_space<semaphore_mem>>)
    %dma_wait3A_64 = tpu.memref_slice %arg2[%add3A_61] : memref<3276800xi32, #tpu.memory_space<hbm>> -> memref<12800xi32, #tpu.memory_space<hbm>>
    %dma_wait3A_65 = tpu.memref_slice %arg2[%add3A_61] : memref<3276800xi32, #tpu.memory_space<hbm>> -> memref<12800xi32, #tpu.memory_space<hbm>>
    tpu.wait_dma2 semaphore(%arg10 : memref<!tpu.dma_semaphore, #tpu.memory_space<semaphore_mem>>) src(%dma_wait3A_65 : memref<12800xi32, #tpu.memory_space<hbm>>) dst(%arg6 : memref<12800xi32, #tpu.memory_space<vmem>>)
    %dma_wait3A_66 = tpu.memref_slice %arg4[%add3A_57] : memref<3276800xf32, #tpu.memory_space<hbm>> -> memref<12800xf32, #tpu.memory_space<hbm>>
    %dma_wait3A_67 = tpu.memref_slice %arg4[%add3A_57] : memref<3276800xf32, #tpu.memory_space<hbm>> -> memref<12800xf32, #tpu.memory_space<hbm>>
    tpu.wait_dma2 semaphore(%arg14 : memref<!tpu.dma_semaphore, #tpu.memory_space<semaphore_mem>>) src(%arg8 : memref<12800xf32, #tpu.memory_space<vmem>>) dst(%dma_wait3A_67 : memref<12800xf32, #tpu.memory_space<hbm>>)
    %dma_start3A_68 = arith.constant 0 : i32
    %dma_start3A_69 = tpu.memref_slice %arg5[%dma_start3A_68] : memref<1000000xf32, #tpu.memory_space<vmem_shared>> -> memref<1000000xf32, #tpu.memory_space<vmem_shared>>
    tpu.enqueue_indirect_dma source(%dma_start3A_69 : memref<1000000xf32, #tpu.memory_space<vmem_shared>>) target(%arg8 : memref<12800xf32, #tpu.memory_space<vmem>>) offsets(%arg6 : memref<12800xi32, #tpu.memory_space<vmem>>) semaphore(%arg12 : memref<!tpu.dma_semaphore, #tpu.memory_space<semaphore_mem>>)
    %dma_wait3A_70 = arith.constant 0 : i32
    %dma_wait3A_71 = tpu.memref_slice %arg5[%dma_wait3A_70] : memref<1000000xf32, #tpu.memory_space<vmem_shared>> -> memref<1000000xf32, #tpu.memory_space<vmem_shared>>
    tpu.wait_indirect_dma semaphore(%arg13 : memref<!tpu.dma_semaphore, #tpu.memory_space<semaphore_mem>>) src(%dma_wait3A_71 : memref<1000000xf32, #tpu.memory_space<vmem_shared>>) dst(%arg9 : memref<12800xf32, #tpu.memory_space<vmem>>)
    %add3A_72 = arith.constant 38400 : i32
    %add3A_73 = arith.addi %mul3A_2, %add3A_72 : i32
    %dma_start3A_74 = tpu.memref_slice %arg4[%add3A_73] : memref<3276800xf32, #tpu.memory_space<hbm>> -> memref<12800xf32, #tpu.memory_space<hbm>>
    %dma_start3A_75 = tpu.memref_slice %arg4[%add3A_73] : memref<3276800xf32, #tpu.memory_space<hbm>> -> memref<12800xf32, #tpu.memory_space<hbm>>
    tpu.enqueue_dma source(%arg9 : memref<12800xf32, #tpu.memory_space<vmem>>) target(%dma_start3A_75 : memref<12800xf32, #tpu.memory_space<hbm>>) target_semaphore(%arg15 : memref<!tpu.dma_semaphore, #tpu.memory_space<semaphore_mem>>)
    %add3A_76 = arith.constant 64000 : i32
    %add3A_77 = arith.addi %mul3A_2, %add3A_76 : i32
    %dma_start3A_78 = tpu.memref_slice %arg2[%add3A_77] : memref<3276800xi32, #tpu.memory_space<hbm>> -> memref<12800xi32, #tpu.memory_space<hbm>>
    %dma_start3A_79 = tpu.memref_slice %arg2[%add3A_77] : memref<3276800xi32, #tpu.memory_space<hbm>> -> memref<12800xi32, #tpu.memory_space<hbm>>
    tpu.enqueue_dma source(%dma_start3A_79 : memref<12800xi32, #tpu.memory_space<hbm>>) target(%arg7 : memref<12800xi32, #tpu.memory_space<vmem>>) target_semaphore(%arg11 : memref<!tpu.dma_semaphore, #tpu.memory_space<semaphore_mem>>)
    %dma_wait3A_80 = tpu.memref_slice %arg2[%add3A_77] : memref<3276800xi32, #tpu.memory_space<hbm>> -> memref<12800xi32, #tpu.memory_space<hbm>>
    %dma_wait3A_81 = tpu.memref_slice %arg2[%add3A_77] : memref<3276800xi32, #tpu.memory_space<hbm>> -> memref<12800xi32, #tpu.memory_space<hbm>>
    tpu.wait_dma2 semaphore(%arg11 : memref<!tpu.dma_semaphore, #tpu.memory_space<semaphore_mem>>) src(%dma_wait3A_81 : memref<12800xi32, #tpu.memory_space<hbm>>) dst(%arg7 : memref<12800xi32, #tpu.memory_space<vmem>>)
    %dma_wait3A_82 = tpu.memref_slice %arg4[%add3A_73] : memref<3276800xf32, #tpu.memory_space<hbm>> -> memref<12800xf32, #tpu.memory_space<hbm>>
    %dma_wait3A_83 = tpu.memref_slice %arg4[%add3A_73] : memref<3276800xf32, #tpu.memory_space<hbm>> -> memref<12800xf32, #tpu.memory_space<hbm>>
    tpu.wait_dma2 semaphore(%arg15 : memref<!tpu.dma_semaphore, #tpu.memory_space<semaphore_mem>>) src(%arg9 : memref<12800xf32, #tpu.memory_space<vmem>>) dst(%dma_wait3A_83 : memref<12800xf32, #tpu.memory_space<hbm>>)
    %dma_start3A_84 = arith.constant 0 : i32
    %dma_start3A_85 = tpu.memref_slice %arg5[%dma_start3A_84] : memref<1000000xf32, #tpu.memory_space<vmem_shared>> -> memref<1000000xf32, #tpu.memory_space<vmem_shared>>
    tpu.enqueue_indirect_dma source(%dma_start3A_85 : memref<1000000xf32, #tpu.memory_space<vmem_shared>>) target(%arg9 : memref<12800xf32, #tpu.memory_space<vmem>>) offsets(%arg7 : memref<12800xi32, #tpu.memory_space<vmem>>) semaphore(%arg13 : memref<!tpu.dma_semaphore, #tpu.memory_space<semaphore_mem>>)
    %dma_wait3A_86 = arith.constant 0 : i32
    %dma_wait3A_87 = tpu.memref_slice %arg5[%dma_wait3A_86] : memref<1000000xf32, #tpu.memory_space<vmem_shared>> -> memref<1000000xf32, #tpu.memory_space<vmem_shared>>
    tpu.wait_indirect_dma semaphore(%arg12 : memref<!tpu.dma_semaphore, #tpu.memory_space<semaphore_mem>>) src(%dma_wait3A_87 : memref<1000000xf32, #tpu.memory_space<vmem_shared>>) dst(%arg8 : memref<12800xf32, #tpu.memory_space<vmem>>)
    %add3A_88 = arith.constant 51200 : i32
    %add3A_89 = arith.addi %mul3A_2, %add3A_88 : i32
    %dma_start3A_90 = tpu.memref_slice %arg4[%add3A_89] : memref<3276800xf32, #tpu.memory_space<hbm>> -> memref<12800xf32, #tpu.memory_space<hbm>>
    %dma_start3A_91 = tpu.memref_slice %arg4[%add3A_89] : memref<3276800xf32, #tpu.memory_space<hbm>> -> memref<12800xf32, #tpu.memory_space<hbm>>
    tpu.enqueue_dma source(%arg8 : memref<12800xf32, #tpu.memory_space<vmem>>) target(%dma_start3A_91 : memref<12800xf32, #tpu.memory_space<hbm>>) target_semaphore(%arg14 : memref<!tpu.dma_semaphore, #tpu.memory_space<semaphore_mem>>)
    %add3A_92 = arith.constant 76800 : i32
    %add3A_93 = arith.addi %mul3A_2, %add3A_92 : i32
    %dma_start3A_94 = tpu.memref_slice %arg2[%add3A_93] : memref<3276800xi32, #tpu.memory_space<hbm>> -> memref<12800xi32, #tpu.memory_space<hbm>>
    %dma_start3A_95 = tpu.memref_slice %arg2[%add3A_93] : memref<3276800xi32, #tpu.memory_space<hbm>> -> memref<12800xi32, #tpu.memory_space<hbm>>
    tpu.enqueue_dma source(%dma_start3A_95 : memref<12800xi32, #tpu.memory_space<hbm>>) target(%arg6 : memref<12800xi32, #tpu.memory_space<vmem>>) target_semaphore(%arg10 : memref<!tpu.dma_semaphore, #tpu.memory_space<semaphore_mem>>)
    %dma_wait3A_96 = tpu.memref_slice %arg2[%add3A_93] : memref<3276800xi32, #tpu.memory_space<hbm>> -> memref<12800xi32, #tpu.memory_space<hbm>>
    %dma_wait3A_97 = tpu.memref_slice %arg2[%add3A_93] : memref<3276800xi32, #tpu.memory_space<hbm>> -> memref<12800xi32, #tpu.memory_space<hbm>>
    tpu.wait_dma2 semaphore(%arg10 : memref<!tpu.dma_semaphore, #tpu.memory_space<semaphore_mem>>) src(%dma_wait3A_97 : memref<12800xi32, #tpu.memory_space<hbm>>) dst(%arg6 : memref<12800xi32, #tpu.memory_space<vmem>>)
    %dma_wait3A_98 = tpu.memref_slice %arg4[%add3A_89] : memref<3276800xf32, #tpu.memory_space<hbm>> -> memref<12800xf32, #tpu.memory_space<hbm>>
    %dma_wait3A_99 = tpu.memref_slice %arg4[%add3A_89] : memref<3276800xf32, #tpu.memory_space<hbm>> -> memref<12800xf32, #tpu.memory_space<hbm>>
    tpu.wait_dma2 semaphore(%arg14 : memref<!tpu.dma_semaphore, #tpu.memory_space<semaphore_mem>>) src(%arg8 : memref<12800xf32, #tpu.memory_space<vmem>>) dst(%dma_wait3A_99 : memref<12800xf32, #tpu.memory_space<hbm>>)
    %dma_start3A_100 = arith.constant 0 : i32
    %dma_start3A_101 = tpu.memref_slice %arg5[%dma_start3A_100] : memref<1000000xf32, #tpu.memory_space<vmem_shared>> -> memref<1000000xf32, #tpu.memory_space<vmem_shared>>
    tpu.enqueue_indirect_dma source(%dma_start3A_101 : memref<1000000xf32, #tpu.memory_space<vmem_shared>>) target(%arg8 : memref<12800xf32, #tpu.memory_space<vmem>>) offsets(%arg6 : memref<12800xi32, #tpu.memory_space<vmem>>) semaphore(%arg12 : memref<!tpu.dma_semaphore, #tpu.memory_space<semaphore_mem>>)
    %dma_wait3A_102 = arith.constant 0 : i32
    %dma_wait3A_103 = tpu.memref_slice %arg5[%dma_wait3A_102] : memref<1000000xf32, #tpu.memory_space<vmem_shared>> -> memref<1000000xf32, #tpu.memory_space<vmem_shared>>
    tpu.wait_indirect_dma semaphore(%arg13 : memref<!tpu.dma_semaphore, #tpu.memory_space<semaphore_mem>>) src(%dma_wait3A_103 : memref<1000000xf32, #tpu.memory_space<vmem_shared>>) dst(%arg9 : memref<12800xf32, #tpu.memory_space<vmem>>)
    %add3A_104 = arith.constant 64000 : i32
    %add3A_105 = arith.addi %mul3A_2, %add3A_104 : i32
    %dma_start3A_106 = tpu.memref_slice %arg4[%add3A_105] : memref<3276800xf32, #tpu.memory_space<hbm>> -> memref<12800xf32, #tpu.memory_space<hbm>>
    %dma_start3A_107 = tpu.memref_slice %arg4[%add3A_105] : memref<3276800xf32, #tpu.memory_space<hbm>> -> memref<12800xf32, #tpu.memory_space<hbm>>
    tpu.enqueue_dma source(%arg9 : memref<12800xf32, #tpu.memory_space<vmem>>) target(%dma_start3A_107 : memref<12800xf32, #tpu.memory_space<hbm>>) target_semaphore(%arg15 : memref<!tpu.dma_semaphore, #tpu.memory_space<semaphore_mem>>)
    %add3A_108 = arith.constant 89600 : i32
    %add3A_109 = arith.addi %mul3A_2, %add3A_108 : i32
    %dma_start3A_110 = tpu.memref_slice %arg2[%add3A_109] : memref<3276800xi32, #tpu.memory_space<hbm>> -> memref<12800xi32, #tpu.memory_space<hbm>>
    %dma_start3A_111 = tpu.memref_slice %arg2[%add3A_109] : memref<3276800xi32, #tpu.memory_space<hbm>> -> memref<12800xi32, #tpu.memory_space<hbm>>
    tpu.enqueue_dma source(%dma_start3A_111 : memref<12800xi32, #tpu.memory_space<hbm>>) target(%arg7 : memref<12800xi32, #tpu.memory_space<vmem>>) target_semaphore(%arg11 : memref<!tpu.dma_semaphore, #tpu.memory_space<semaphore_mem>>)
    %dma_wait3A_112 = tpu.memref_slice %arg2[%add3A_109] : memref<3276800xi32, #tpu.memory_space<hbm>> -> memref<12800xi32, #tpu.memory_space<hbm>>
    %dma_wait3A_113 = tpu.memref_slice %arg2[%add3A_109] : memref<3276800xi32, #tpu.memory_space<hbm>> -> memref<12800xi32, #tpu.memory_space<hbm>>
    tpu.wait_dma2 semaphore(%arg11 : memref<!tpu.dma_semaphore, #tpu.memory_space<semaphore_mem>>) src(%dma_wait3A_113 : memref<12800xi32, #tpu.memory_space<hbm>>) dst(%arg7 : memref<12800xi32, #tpu.memory_space<vmem>>)
    %dma_wait3A_114 = tpu.memref_slice %arg4[%add3A_105] : memref<3276800xf32, #tpu.memory_space<hbm>> -> memref<12800xf32, #tpu.memory_space<hbm>>
    %dma_wait3A_115 = tpu.memref_slice %arg4[%add3A_105] : memref<3276800xf32, #tpu.memory_space<hbm>> -> memref<12800xf32, #tpu.memory_space<hbm>>
    tpu.wait_dma2 semaphore(%arg15 : memref<!tpu.dma_semaphore, #tpu.memory_space<semaphore_mem>>) src(%arg9 : memref<12800xf32, #tpu.memory_space<vmem>>) dst(%dma_wait3A_115 : memref<12800xf32, #tpu.memory_space<hbm>>)
    %dma_start3A_116 = arith.constant 0 : i32
    %dma_start3A_117 = tpu.memref_slice %arg5[%dma_start3A_116] : memref<1000000xf32, #tpu.memory_space<vmem_shared>> -> memref<1000000xf32, #tpu.memory_space<vmem_shared>>
    tpu.enqueue_indirect_dma source(%dma_start3A_117 : memref<1000000xf32, #tpu.memory_space<vmem_shared>>) target(%arg9 : memref<12800xf32, #tpu.memory_space<vmem>>) offsets(%arg7 : memref<12800xi32, #tpu.memory_space<vmem>>) semaphore(%arg13 : memref<!tpu.dma_semaphore, #tpu.memory_space<semaphore_mem>>)
    %dma_wait3A_118 = arith.constant 0 : i32
    %dma_wait3A_119 = tpu.memref_slice %arg5[%dma_wait3A_118] : memref<1000000xf32, #tpu.memory_space<vmem_shared>> -> memref<1000000xf32, #tpu.memory_space<vmem_shared>>
    tpu.wait_indirect_dma semaphore(%arg12 : memref<!tpu.dma_semaphore, #tpu.memory_space<semaphore_mem>>) src(%dma_wait3A_119 : memref<1000000xf32, #tpu.memory_space<vmem_shared>>) dst(%arg8 : memref<12800xf32, #tpu.memory_space<vmem>>)
    %add3A_120 = arith.constant 76800 : i32
    %add3A_121 = arith.addi %mul3A_2, %add3A_120 : i32
    %dma_start3A_122 = tpu.memref_slice %arg4[%add3A_121] : memref<3276800xf32, #tpu.memory_space<hbm>> -> memref<12800xf32, #tpu.memory_space<hbm>>
    %dma_start3A_123 = tpu.memref_slice %arg4[%add3A_121] : memref<3276800xf32, #tpu.memory_space<hbm>> -> memref<12800xf32, #tpu.memory_space<hbm>>
    tpu.enqueue_dma source(%arg8 : memref<12800xf32, #tpu.memory_space<vmem>>) target(%dma_start3A_123 : memref<12800xf32, #tpu.memory_space<hbm>>) target_semaphore(%arg14 : memref<!tpu.dma_semaphore, #tpu.memory_space<semaphore_mem>>)
    %dma_wait3A_124 = arith.constant 0 : i32
    %dma_wait3A_125 = tpu.memref_slice %arg5[%dma_wait3A_124] : memref<1000000xf32, #tpu.memory_space<vmem_shared>> -> memref<1000000xf32, #tpu.memory_space<vmem_shared>>
    tpu.wait_indirect_dma semaphore(%arg13 : memref<!tpu.dma_semaphore, #tpu.memory_space<semaphore_mem>>) src(%dma_wait3A_125 : memref<1000000xf32, #tpu.memory_space<vmem_shared>>) dst(%arg9 : memref<12800xf32, #tpu.memory_space<vmem>>)
    %add3A_126 = arith.constant 89600 : i32
    %add3A_127 = arith.addi %mul3A_2, %add3A_126 : i32
    %dma_start3A_128 = tpu.memref_slice %arg4[%add3A_127] : memref<3276800xf32, #tpu.memory_space<hbm>> -> memref<12800xf32, #tpu.memory_space<hbm>>
    %dma_start3A_129 = tpu.memref_slice %arg4[%add3A_127] : memref<3276800xf32, #tpu.memory_space<hbm>> -> memref<12800xf32, #tpu.memory_space<hbm>>
    tpu.enqueue_dma source(%arg9 : memref<12800xf32, #tpu.memory_space<vmem>>) target(%dma_start3A_129 : memref<12800xf32, #tpu.memory_space<hbm>>) target_semaphore(%arg15 : memref<!tpu.dma_semaphore, #tpu.memory_space<semaphore_mem>>)
    %dma_wait3A_130 = tpu.memref_slice %arg4[%add3A_121] : memref<3276800xf32, #tpu.memory_space<hbm>> -> memref<12800xf32, #tpu.memory_space<hbm>>
    %dma_wait3A_131 = tpu.memref_slice %arg4[%add3A_121] : memref<3276800xf32, #tpu.memory_space<hbm>> -> memref<12800xf32, #tpu.memory_space<hbm>>
    tpu.wait_dma2 semaphore(%arg14 : memref<!tpu.dma_semaphore, #tpu.memory_space<semaphore_mem>>) src(%arg8 : memref<12800xf32, #tpu.memory_space<vmem>>) dst(%dma_wait3A_131 : memref<12800xf32, #tpu.memory_space<hbm>>)
    %dma_wait3A_132 = tpu.memref_slice %arg4[%add3A_127] : memref<3276800xf32, #tpu.memory_space<hbm>> -> memref<12800xf32, #tpu.memory_space<hbm>>
    %dma_wait3A_133 = tpu.memref_slice %arg4[%add3A_127] : memref<3276800xf32, #tpu.memory_space<hbm>> -> memref<12800xf32, #tpu.memory_space<hbm>>
    tpu.wait_dma2 semaphore(%arg15 : memref<!tpu.dma_semaphore, #tpu.memory_space<semaphore_mem>>) src(%arg9 : memref<12800xf32, #tpu.memory_space<vmem>>) dst(%dma_wait3A_133 : memref<12800xf32, #tpu.memory_space<hbm>>)
    return
  }
}

module attributes {stable_mosaic.version = 14 : i64} {
  func.func @_detile_body(%arg0: i32, %arg1: memref<200x2048xi32, #tpu.memory_space<vmem>>, %arg2: memref<25x16x8x128xi32, #tpu.memory_space<vmem>>) attributes {dimension_semantics = [#tpu.dimension_semantics<arbitrary>], iteration_bounds = array<i64: 8>, scalar_prefetch = 0 : i64, scratch_operands = 0 : i64, tpu.core_type = #tpu.core_type<tc>, window_params = [{transform_indices = @transform_0, window_bounds = array<i64: 200, 2048>}, {transform_indices = @transform_1, window_bounds = array<i64: 25, 16, 8, 128>}]} {
    %get3A = arith.constant 0 : index
    %get3A_0 = arith.constant 0 : index
    %get3A_1 = vector.load %arg1[%get3A, %get3A_0] : memref<200x2048xi32, #tpu.memory_space<vmem>>, vector<200x2048xi32>
    %reshape3A = vector.shape_cast %get3A_1 : vector<200x2048xi32> to vector<25x8x16x128xi32>
    %transpose3A = tpu.transpose %reshape3A, [0, 2, 1, 3] : vector<25x8x16x128xi32> -> vector<25x16x8x128xi32>
    %swap3A = arith.constant 0 : index
    %swap3A_2 = arith.constant 0 : index
    %swap3A_3 = arith.constant 0 : index
    %swap3A_4 = arith.constant 0 : index
    %swap3A_5 = vector.load %arg2[%swap3A, %swap3A_2, %swap3A_3, %swap3A_4] : memref<25x16x8x128xi32, #tpu.memory_space<vmem>>, vector<25x16x8x128xi32>
    tpu.vector_store %arg2[%swap3A, %swap3A_2, %swap3A_3, %swap3A_4], %transpose3A {strides = array<i32>} : memref<25x16x8x128xi32, #tpu.memory_space<vmem>>, vector<25x16x8x128xi32>,
    return
  }
  func.func @transform_0(%arg0: i32) -> (i32, i32) {
    %c0_i32 = arith.constant 0 : i32
    %c0_i32_0 = arith.constant 0 : i32
    return %c0_i32, %arg0 : i32, i32
  }
  func.func @transform_1(%arg0: i32) -> (i32, i32, i32, i32) {
    %c0_i32 = arith.constant 0 : i32
    %c0_i32_0 = arith.constant 0 : i32
    %c0_i32_1 = arith.constant 0 : i32
    %c0_i32_2 = arith.constant 0 : i32
    return %c0_i32, %arg0, %c0_i32_0, %c0_i32_1 : i32, i32, i32, i32
  }
}

module attributes {stable_mosaic.version = 14 : i64} {
  func.func @_mul_body(%arg0: i32, %arg1: memref<25x16x8x128xf32, #tpu.memory_space<vmem>>, %arg2: memref<200x2048xf32, #tpu.memory_space<vmem>>, %arg3: memref<200x2048xf32, #tpu.memory_space<vmem>>) attributes {dimension_semantics = [#tpu.dimension_semantics<arbitrary>], iteration_bounds = array<i64: 8>, scalar_prefetch = 0 : i64, scratch_operands = 0 : i64, tpu.core_type = #tpu.core_type<tc>, window_params = [{transform_indices = @transform_0, window_bounds = array<i64: 25, 16, 8, 128>}, {transform_indices = @transform_1, window_bounds = array<i64: 200, 2048>}, {transform_indices = @transform_2, window_bounds = array<i64: 200, 2048>}]} {
    %get3A = arith.constant 0 : index
    %get3A_0 = arith.constant 0 : index
    %get3A_1 = arith.constant 0 : index
    %get3A_2 = arith.constant 0 : index
    %get3A_3 = vector.load %arg1[%get3A, %get3A_0, %get3A_1, %get3A_2] : memref<25x16x8x128xf32, #tpu.memory_space<vmem>>, vector<25x16x8x128xf32>
    %transpose3A = tpu.transpose %get3A_3, [0, 2, 1, 3] : vector<25x16x8x128xf32> -> vector<25x8x16x128xf32>
    %reshape3A = vector.shape_cast %transpose3A : vector<25x8x16x128xf32> to vector<200x2048xf32>
    %get3A_4 = arith.constant 0 : index
    %get3A_5 = arith.constant 0 : index
    %get3A_6 = vector.load %arg2[%get3A_4, %get3A_5] : memref<200x2048xf32, #tpu.memory_space<vmem>>, vector<200x2048xf32>
    %mul3A = arith.mulf %reshape3A, %get3A_6 : vector<200x2048xf32>
    %swap3A = arith.constant 0 : index
    %swap3A_7 = arith.constant 0 : index
    %swap3A_8 = vector.load %arg3[%swap3A, %swap3A_7] : memref<200x2048xf32, #tpu.memory_space<vmem>>, vector<200x2048xf32>
    tpu.vector_store %arg3[%swap3A, %swap3A_7], %mul3A {strides = array<i32>} : memref<200x2048xf32, #tpu.memory_space<vmem>>, vector<200x2048xf32>,
    return
  }
  func.func @transform_0(%arg0: i32) -> (i32, i32, i32, i32) {
    %c0_i32 = arith.constant 0 : i32
    %c0_i32_0 = arith.constant 0 : i32
    %c0_i32_1 = arith.constant 0 : i32
    %c0_i32_2 = arith.constant 0 : i32
    return %c0_i32, %arg0, %c0_i32_0, %c0_i32_1 : i32, i32, i32, i32
  }
  func.func @transform_1(%arg0: i32) -> (i32, i32) {
    %c0_i32 = arith.constant 0 : i32
    %c0_i32_0 = arith.constant 0 : i32
    return %c0_i32, %arg0 : i32, i32
  }
  func.func @transform_2(%arg0: i32) -> (i32, i32) {
    %c0_i32 = arith.constant 0 : i32
    %c0_i32_0 = arith.constant 0 : i32
    return %c0_i32, %arg0 : i32, i32
  }
}

</mosaic_0001>

<sc_bundles>
// kernel: _run.5.cloned.1.call-start
scs
__scs_entry_jumppad:
0x0: {  	(pc) =	sbr.rel $0x88, $3  }
0x1: {  	(tag) =	ssettag $0x0;
	lr =	simm.s32 $0x1  }
0x2: {  	[smem:$0x3F9E] =	sst lr;
	_ =	strace $0xD0000000  }
0x3: {  	_ = 	snop  }
0x4: {  	_ = 	snop  }
0x5: {  	_ = 	snop  }
0x6: {  	_ = 	snop  }
0x7: {  	_ = 	snop  }
__scs_overlays_trampoline_lowered:
0x8: {  	[smem:$0x3FAD] =	sst s0  }
0x9: {  	[smem:$0x3FAE] =	sst s1  }
0xa: {  	[smem:$0x3FAF] =	sst s2  }
0xb: {  	[smem:$0x3FB0] =	sst s3  }
0xc: {  	[smem:$0x3FB1] =	sst s4  }
0xd: {  	[smem:$0x3FB2] =	sst s5  }
0xe: {  	[smem:$0x3FB3] =	sst s6  }
0xf: {  	[smem:$0x3FB4] =	sst s7  }
0x10: {  	[smem:$0x3FB5] =	sst s8  }
0x11: {  	[smem:$0x3FB6] =	sst s9;
	s0 =	simm.s32 @!p0 $0x0  }
0x12: {  	s1 =	sld [smem:$0x3F9C];
	s0 =	simm.s32 @p0 $0x1  }
0x13: {  	[smem:$0x3FB7] =	sst s0;
	s0 =	simm.s32 @!p1 $0x0  }
0x14: {  	s2 =	sld [smem:$0x3F9B];
	s0 =	simm.s32 @p1 $0x1  }
0x15: {  	[smem:$0x3FB8] =	sst s0;
	s0 =	simm.s32 @!p2 $0x0  }
0x16: {  	s3 =	sld [smem:$0x3FDB];
	s0 =	simm.s32 @p2 $0x1  }
0x17: {  	s4 =	simm.s32 $0x1BF5;
	[smem:$0x3FBA] =	sst s0  }
0x18: {  	s0 =	sld [smem:$0x3F9D];
	_ =	swait.ge [sflag:s4], $0x0  }
0x19: {  	s7 =	sld [smem:$0x3F9E]  }
0x1a: {  	s8 =	sadd.s32 $0xFFFFE003, lr  }
0x1b: {  	s9 =	sadd.s32 $0xFFFFFEF7, lr;
	s5 =	simm.s32 $0xFFFFFFFF;
	p2 =	slt.u32 s8, $0xFFFFF086  }
0x1c: {  	p1 =	slt.u32 s9, $0xF7A;
	s5 =	simm.s32 @!p2 $0x0  }
0x1d: {  	s5 =	simm.s32 @p1 $0x1;
	p0 =	seq.s32 s7, s2  }
0x1e: {  	s7 =	smul.u32 @!p0 $0xF7A, s2;
	p2 =	seq.s32 @!p0 s5, $0x0  }
0x1f: {  	s9 =	smul.u32 $0xF7A, s1;
	s8 =	simm.s32 @!p0 $0x1BF5;
	p2 =	por !p2, p0  }
0x20: {  	[sflag:s8] =	ssyncset.s32 @!p0 $0xFFFFF086;
	s6 =	sadd.s32 @!p0 s3, s7;
	s7 =	simm.s32 @!p0 $0x108  }
0x21: {  	s3 =	sadd.s32 s3, s9;
	s6 =	sadd.s32 @!p0 $0x88, s6;
	s7 =	simm.s32 @p2 $0x1082  }
0x22: {  	[simem:s7], [sflag:s8] =	dma.local @!p0 [hbm:s6], $0xF7A  }
0x23: {  	s9 =	sor.u32 $0xD0000000, s2;
	s6 =	simm.s32 $0x108;
	_ =	swait.ge @!p0 [sflag:s8], $0x0  }
0x24: {  	s3 =	sadd.s32 $0x88, s3;
	s6 =	simm.s32 @!p1 $0x1082;
	[sflag:s4] =	ssyncset.s32 $0xFFFFF086  }
0x25: {  	[simem:s6], [sflag:s4] =	dma.local [hbm:s3], $0xF7A  }
0x26: {  	[smem:$0x3F9E] =	sst s1;
	(tag) =	ssettag s2;
	_ =	strace s9  }
0x27: {  	s1 =	sld [smem:$0x3FAE]  }
0x28: {  	s2 =	sld [smem:$0x3FAF]  }
0x29: {  	s4 =	sld [smem:$0x3FB1]  }
0x2a: {  	p0 =	seq.s32 s5, $0x0;
	s5 =	sld [smem:$0x3FB2]  }
0x2b: {  	s6 =	sld [smem:$0x3FB3]  }
0x2c: {  	s7 =	sld [smem:$0x3FB4]  }
0x2d: {  	s3 =	simm.s32 $0x108;
	s8 =	sld [smem:$0x3FB5]  }
0x2e: {  	s3 =	simm.s32 @!p0 $0x1082;
	s9 =	sld [smem:$0x3FB6]  }
0x2f: {  	lr =	sadd.s32 s0, s3;
	s0 =	sld [smem:$0x3FAD]  }
0x30: {  	s3 =	sld [smem:$0x3FB0]  }
0x31: {  	[smem:$0x3FB9] =	sst s10  }
0x32: {  	s10 =	sld [smem:$0x3FB7];
	_ =	sdelay $0x3  }
0x33: {  	p0 =	seq.s32 s10, $0x1;
	s10 =	sld [smem:$0x3FB9];
	_ =	sdelay $0x3  }
0x34: {  	[smem:$0x3FB9] =	sst s10  }
0x35: {  	s10 =	sld [smem:$0x3FB8];
	_ =	sdelay $0x3  }
0x36: {  	p1 =	seq.s32 s10, $0x1;
	s10 =	sld [smem:$0x3FB9];
	_ =	sdelay $0x3  }
0x37: {  	[smem:$0x3FB9] =	sst s10  }
0x38: {  	s10 =	sld [smem:$0x3FBA]  }
0x39: {  	_ = 	snop;
	(pc) =	sbr.ind lr, $3  }
0x3a: {  	_ = 	snop  }
0x3b: {  	_ = 	snop  }
0x3c: {  	p2 =	seq.s32 s10, $0x1;
	s10 =	sld [smem:$0x3FB9]  }
0x3d: {  	_ =	shalt  }
0x3e: {  	_ =	shalt  }
0x3f: {  	_ =	shalt  }
0x40: {  	_ =	shalt  }
0x41: {  	_ =	shalt  }
0x42: {  	_ =	shalt  }
0x43: {  	_ =	shalt  }
0x44: {  	_ =	shalt  }
0x45: {  	_ =	shalt  }
0x46: {  	_ =	shalt  }
0x47: {  	_ =	shalt  }
0x48: {  	_ =	shalt  }
0x49: {  	_ =	shalt  }
0x4a: {  	_ =	shalt  }
0x4b: {  	_ =	shalt  }
0x4c: {  	_ =	shalt  }
0x4d: {  	_ =	shalt  }
0x4e: {  	_ =	shalt  }
0x4f: {  	_ =	shalt  }
0x50: {  	_ =	shalt  }
0x51: {  	_ =	shalt  }
0x52: {  	_ =	shalt  }
0x53: {  	_ =	shalt  }
0x54: {  	_ =	shalt  }
0x55: {  	_ =	shalt  }
0x56: {  	_ =	shalt  }
0x57: {  	_ =	shalt  }
0x58: {  	_ =	shalt  }
0x59: {  	_ =	shalt  }
0x5a: {  	_ =	shalt  }
0x5b: {  	_ =	shalt  }
0x5c: {  	_ =	shalt  }
0x5d: {  	_ =	shalt  }
0x5e: {  	_ =	shalt  }
0x5f: {  	_ =	shalt  }
0x60: {  	_ =	shalt  }
0x61: {  	_ =	shalt  }
0x62: {  	_ =	shalt  }
0x63: {  	_ =	shalt  }
0x64: {  	_ =	shalt  }
0x65: {  	_ =	shalt  }
0x66: {  	_ =	shalt  }
0x67: {  	_ =	shalt  }
0x68: {  	_ =	shalt  }
0x69: {  	_ =	shalt  }
0x6a: {  	_ =	shalt  }
0x6b: {  	_ =	shalt  }
0x6c: {  	_ =	shalt  }
0x6d: {  	_ =	shalt  }
0x6e: {  	_ =	shalt  }
0x6f: {  	_ =	shalt  }
0x70: {  	_ =	shalt  }
0x71: {  	_ =	shalt  }
0x72: {  	_ =	shalt  }
0x73: {  	_ =	shalt  }
0x74: {  	_ =	shalt  }
0x75: {  	_ =	shalt  }
0x76: {  	_ =	shalt  }
0x77: {  	_ =	shalt  }
0x78: {  	_ =	shalt  }
0x79: {  	_ =	shalt  }
0x7a: {  	_ =	shalt  }
0x7b: {  	_ =	shalt  }
0x7c: {  	_ =	shalt  }
0x7d: {  	_ =	shalt  }
0x7e: {  	_ =	shalt  }
0x7f: {  	_ =	shalt  }
0x80: {  	_ =	shalt  }
0x81: {  	_ =	shalt  }
0x82: {  	_ =	shalt  }
0x83: {  	_ =	shalt  }
0x84: {  	_ =	shalt  }
0x85: {  	_ =	shalt  }
0x86: {  	_ =	shalt  }
0x87: {  	_ =	shalt  }
.Lfunc_end0:
.L_simem_size_0:
called_computation_lowered:
.L_overlay_start_0:
0x88: {  	s2 =	sld [smem:$0x3FD9]  }
0x89: {  	s3 =	sld [smem:$0x3FFE];
	_ =	sdelay $0x1  }
0x8a: {  	s1 =	srdreg.scid  }
0x8b: {  	s0 =	sand.u32 $0x1, s1  }
0x8c: {  	s17 =	sshll.u32 s0, $0xA;
	s2 =	sadd.s32 s3, s2  }
0x8d: {  	s2 =	sadd.s32 s2, s17  }
0x8e: {  	[smem:$0x3FC5] =	sst s2  }
0x8f: {  	_ = 	snop  }
0x90: {  	s2 =	sld [smem:$0x3FC7]  }
0x91: {  	s18 =	sld [smem:$0x3FD0];
	(tm) =	ssettm $0x1  }
0x92: {  	s4 =	sld [smem:$0x3FFB];
	_ =	sdelay $0x3  }
0x93: {  	_ =	strace s4  }
0x94: {  	s4 =	sld [smem:$0x3FFC];
	_ =	sdelay $0x3  }
0x95: {  	_ =	strace s4  }
0x96: {  	s4 =	sld [smem:$0x3FFD];
	_ =	sdelay $0x3  }
0x97: {  	_ =	strace s4  }
0x98: {  	_ =	strace $0x8FFFFFFF  }
0x99: {  	s19 =	sld [smem:$0x3FDB];
	_ =	sdelay $0x1  }
0x9a: {  	s5 =	simm.s32 $_scs_section_size  }
0x9b: {  	s6 =	simm.s32 $_size__tile_overlayer_lowered;
	s7 =	simm.s32 $_tile_overlayer_lowered  }
0x9c: {  	s22 =	simm.s32 $0x1BFF;
	s21 =	sshll.u32 s7, $0x1;
	s4 =	sadd.s32 s5, s19  }
0x9d: {  	s8 =	simm.s32 $0x0;
	s20 =	sshll.u32 s6, $0x1;
	s6 =	sadd.s32 s21, s4  }
0x9e: {  	[timem:s8], [sflag:s22] =	dma.local [hbm:s6], s20  }
0x9f: {  	_ =	swait.ge [sflag:s22], s20  }
0xa0: {  	s5 =	ssub.s32 $0x0, s20;
	[sflag:s22] =	ssyncset.done $0x0  }
0xa1: {  	[sflag:s22] =	ssyncadd.s32 s5;
	_ =	sdelay $0x1  }
0xa2: {  	s23 =	simm.s32 $0x1B8B  }
0xa3: {  	_ =	swait.ge [sflag:s23], $0x1  }
0xa4: {  	[sflag:s23] =	ssyncset.done $0x0  }
0xa5: {  	s25 =	simm.s32 $0x1B8E;
	s24 =	sld [smem:$0x3FFE];
	[sflag:s23] =	ssyncadd.s32 $0xFFFFFFFF  }
0xa6: {  	s26 =	simm.s32 $execute0_lowered;
	[smem:$0x3FD2] =	sst s25  }
0xa7: {  	s6 =	sshll.u32 s26, $0x1;
	_ =	strace $0x80000046;
	[dreg:$0x1] =	wrdreg $0xFFFFFFFF  }
0xa8: {  	s28 =	simm.s32 $_size_execute0_lowered;
	s4 =	sadd.s32 s4, s6;
	[dreg:$0x0] =	wrdreg $0x0  }
0xa9: {  	s6 =	sshll.u32 s28, $0x1;
	[dreg:$0x2] =	wrdreg s4  }
0xaa: {  	[dreg:$0x3] =	wrdreg s6  }
0xab: {  	[dreg:$0x4] =	wrdreg $0xC0  }
0xac: {  	_ =	task [dreg:s8], $0x5FFFF  }
0xad: {  	[dreg:$0x1] =	wrdreg $0xFFFFFFFF  }
0xae: {  	[dreg:$0x0] =	wrdreg $0x60  }
0xaf: {  	[dreg:$0x2] =	wrdreg s18  }
0xb0: {  	[dreg:$0x3] =	wrdreg s2  }
0xb1: {  	[dreg:$0x4] =	wrdreg s24  }
0xb2: {  	[dreg:$0x5] =	wrdreg $0x0  }
0xb3: {  	[dreg:$0x6] =	wrdreg $0x9  }
0xb4: {  	_ =	task.clear_ibuf [dreg:s8], $0x7FFFF;
	_ =	strace $0x90000046  }
0xb5: {  	s29 =	simm.s32 $0x9;
	_ =	strace $0x80000048  }
0xb6: {  	_ =	swait.ge [sflag:s29], $0x1  }
0xb7: {  	[sflag:s29] =	ssyncadd.s32 $0xFFFFFFFF  }
0xb8: {  	_ =	strace $0x90000048  }
0xb9: {  	_ =	sfence  }
0xba: {  	s30 =	sld [smem:$0x0];
	_ =	sdelay $0x2  }
0xbb: {  	s31 =	sshll.u32 s1, $0xD;
	s1 =	sshrl.u32 s1, $0x2  }
0xbc: {  	s3 =	sand.u32 $0x4000, s31;
	s1 =	sadd.s32 s1, s30  }
0xbd: {  	s0 =	sor.u32 s3, s0;
	s1 =	sshll.u32 s1, $0x11  }
0xbe: {  	s0 =	sor.u32 s1, s0  }
0xbf: {  	s0 =	sadd.s32 $0x8F2B, s0  }
0xc0: {  	[sflag:s0] =	ssyncadd.remote.s32 $0x1  }
0xc1: {  	_ =	sfence.sel $0xFFFF  }
0xc2: {  	[dreg:$0x0] =	wrdreg $0xFFFFFFFF;
	(pc) =	sbr.abs _section_cstart, $3  }
0xc3: {  	[dreg:$0x1] =	wrdreg $0xFFFFFFFF  }
0xc4: {  	_ =	task.clear_ibuf [dreg:s8], $0x2FFFF;
	_ =	strace $0x9FFFFFFF  }
0xc5: {  	(tm) =	ssettm $0x7FFFFFFF  }
tec
execute0_lowered:
.L_overlay_start_1:
0x0: {  	(tag) =	ssettag $0x1  }
0x1: {  	s0 =	rddreg [dreg:$0x0]  }
0x2: {  	s2 =	srdreg.scid;
	s1 =	rddreg [dreg:$0x1]  }
0x3: {  	s28 =	stileid.u32;
	s5 =	rddreg [dreg:$0x2]  }
0x4: {  	s3 =	rddreg [dreg:$0x3];
	s4 =	sand.u32 $0x1, s2;
	s19 =	sshll.u32 s28, $0x1  }
0x5: {  	s29 =	rddreg [dreg:$0x4];
	s2 =	sor.u32 s4, s19  }
0x6: {  	p1 =	por $0x0, $0x0;
	s5 =	sadd.s32 $0x800, s5;
	s6 =	smul.u32 $0x19000, s2  }
0x7: {  	s18 =	smul.u32 $0x2710, s28;
	p0 =	sgt.u32 s28, $0x3;
	s2 =	simm.s32 $0x0  }
0x8: {  	s4 =	ssub.s32 $0x2, s4;
	[smem:$0x7FF] =	sst s2;
	s6 =	sshrl.u32 s6, $0x3  }
0x9: {  	s17 =	sshrl.u32 s4, $0x1;
	_ =	strace $0x80000047;
	s7 =	sadd.s32 s0, s6  }
0xa: {  	s8 =	sadd.s32 $0x640, s6;
	s21 =	sadd.s32 s5, s6;
	[dreg:$0x5] =	wrdreg s7  }
0xb: {  	s9 =	sadd.s32 $0xC80, s6;
	s20 =	sadd.s32 s0, s8;
	[dreg:$0x7] =	wrdreg s21  }
0xc: {  	s4 =	ssub.s32 s4, s17;
	s22 =	sadd.s32 s0, s9;
	[dreg:$0x6] =	wrdreg s20  }
0xd: {  	s24 =	sadd.s32 $0x12C0, s6;
	s23 =	sadd.s32 s5, s8;
	[dreg:$0x8] =	wrdreg s22  }
0xe: {  	s17 =	sadd.s32 $0xC3500, s18;
	s25 =	sadd.s32 s0, s24;
	[dreg:$0x9] =	wrdreg s23  }
0xf: {  	s30 =	sadd.s32 $0x1900, s6;
	s26 =	sadd.s32 s5, s9;
	[dreg:$0xa] =	wrdreg s25  }
0x10: {  	s11 =	sadd.s32 $0x1F40, s6;
	s31 =	sadd.s32 s0, s30;
	[dreg:$0xb] =	wrdreg s26  }
0x11: {  	s14 =	sadd.s32 $0x2580, s6;
	s10 =	sadd.s32 s5, s24;
	[dreg:$0xc] =	wrdreg s31  }
0x12: {  	s6 =	sadd.s32 $0x2BC0, s6;
	s12 =	sadd.s32 s0, s11;
	[dreg:$0xd] =	wrdreg s10  }
0x13: {  	s13 =	sadd.s32 s5, s30;
	s15 =	sadd.s32 s0, s14;
	[dreg:$0xe] =	wrdreg s12  }
0x14: {  	s16 =	sadd.s32 s5, s11;
	s0 =	sadd.s32 s0, s6;
	[dreg:$0xf] =	wrdreg s13  }
0x15: {  	s30 =	sadd.s32 $0x27100, s18;
	s11 =	smax.u32 s4, $0x1;
	[dreg:$0x10] =	wrdreg s15  }
0x16: {  	s7 =	simm.s32 $0x4;
	s4 =	simm.s32 $0x6;
	[dreg:$0x11] =	wrdreg s16  }
0x17: {  	[dreg:$0x12] =	wrdreg s0;
	s25 =	sadd.s32 s5, s14;
	s26 =	sadd.s32 s5, s6  }
0x18: {  	s31 =	sshrl.u32 s18, $0x3;
	s9 =	sshrl.u32 s30, $0x3;
	s12 =	sadd.s32 $0x4E200, s18  }
0x19: {  	s13 =	sadd.s32 $0x75300, s18;
	s16 =	sadd.s32 $0x9C400, s18;
	[dreg:$0x13] =	wrdreg s25  }
0x1a: {  	s20 =	sshrl.u32 s17, $0x3;
	[dreg:$0x14] =	wrdreg s26;
	s8 =	sadd.s32 s1, s31  }
0x1b: {  	s10 =	sadd.s32 s1, s9;
	s26 =	sadd.s32 s18, s3;
	s14 =	sshrl.u32 s12, $0x3  }
0x1c: {  	s15 =	sshrl.u32 s13, $0x3;
	s25 =	sadd.s32 s30, s3;
	s19 =	sshrl.u32 s16, $0x3  }
0x1d: {  	s20 =	sadd.s32 s1, s20;
	s30 =	sadd.s32 $0xEA600, s18;
	s18 =	sadd.s32 s16, s3  }
0x1e: {  	s23 =	sadd.s32 s1, s14;
	s24 =	sadd.s32 s1, s15;
	s31 =	sshrl.u32 s30, $0x3  }
0x1f: {  	s19 =	sadd.s32 s1, s19;
	s16 =	sadd.s32 s1, s31;
	s1 =	sadd.s32 $0xFFFFFFFF, s11  }
0x20: {  	s17 =	sadd.s32 s17, s3;
	s5 =	simm.s32 $0x18A28;
	p2 =	sne.s32 s1, $0x0  }
.Ltmp0:
0x21: {  	s6 =	simm.s32 $0x5;
	s0 =	rddreg [dreg:$0x5];
	(pc) =	sbr.rel @!p2 .LBB2_5-.Ltmp0, $4  }
0x22: {  	s22 =	sadd.s32 s12, s3;
	s21 =	sadd.s32 s13, s3;
	s12 =	simm.s32 $0xF428  }
0x23: {  	s9 =	simm.s32 $0x3;
	s13 =	simm.s32 $0x2;
	[dreg:$0x15] =	wrdreg s8  }
0x24: {  	[dreg:$0x16] =	wrdreg s10;
	s15 =	sadd.s32 s30, s3;
	s10 =	simm.s32 $0x12628  }
0x25: {  	s8 =	simm.s32 $0x15828;
	s14 =	simm.s32 $0x1;
	s11 =	simm.s32 $0x3200  }
0x26: {  	[tilespmem:s12], [sflag:$0x1] =	stream.linear.gather [hbm4b:s0+s2], $0x3200, $0x38;
	[tilespmem:$0x1BC28] =	vst v63  }
0x27: {  	s28 =	rddreg [dreg:$0x6]  }
0x28: {  	[tilespmem:s10], [sflag:$0x2] =	stream.linear.gather [hbm4b:s28+s2], $0x3200, $0x38;
	[tilespmem:$0x1BC28] =	vst v63  }
0x29: {  	s29 =	rddreg [dreg:$0x15]  }
0x2a: {  	[tilespmem:s8], [sflag:$0x3] =	stream.linear.gather [hbm4b:s29+s2], $0x2710, $0x38;
	[tilespmem:$0x1BC28] =	vst v63  }
0x2b: {  	s28 =	rddreg [dreg:$0x16]  }
0x2c: {  	[tilespmem:s5], [sflag:$0x4] =	stream.linear.gather [hbm4b:s28+s2], $0x2710, $0x38;
	[tilespmem:$0x1BC28] =	vst v63  }
0x2d: {  	_ =	swait.ge [sflag:s9], $0x2710  }
0x2e: {  	[sflag:s9] =	ssyncset.done $0x0  }
0x2f: {  	[sflag:s9] =	ssyncadd.s32 $0xFFFFD8F0  }
0x30: {  	[spmem:s26] =	stream.linear.scatter [tilespmem:s8], [sflag:$0x5], $0x2710, $0x38;
	[tilespmem:$0x1BC28] =	vst v63  }
0x31: {  	_ =	swait.ge [sflag:s7], $0x2710  }
0x32: {  	[sflag:s7] =	ssyncset.done $0x0  }
0x33: {  	[sflag:s7] =	ssyncadd.s32 $0xFFFFD8F0  }
0x34: {  	[spmem:s25] =	stream.linear.scatter [tilespmem:s5], [sflag:$0x6], $0x2710, $0x38;
	[tilespmem:$0x1BC28] =	vst v63  }
0x35: {  	_ =	swait.ge [sflag:s6], $0x2710  }
0x36: {  	[sflag:s6] =	ssyncset.done $0x0  }
0x37: {  	[sflag:s6] =	ssyncadd.s32 $0xFFFFD8F0  }
0x38: {  	_ =	swait.ge [sflag:s4], $0x2710  }
0x39: {  	[sflag:s4] =	ssyncset.done $0x0  }
0x3a: {  	[sflag:s4] =	ssyncadd.s32 $0xFFFFD8F0  }
0x3b: {  	[tilespmem:s8], [sflag:$0x3] =	stream.linear.gather [hbm4b:s23+s2], $0x2710, $0x38;
	[tilespmem:$0x1BC28] =	vst v63  }
0x3c: {  	_ = 	snop  }
0x3d: {  	[tilespmem:s5], [sflag:$0x4] =	stream.linear.gather [hbm4b:s24+s2], $0x2710, $0x38;
	[tilespmem:$0x1BC28] =	vst v63  }
0x3e: {  	_ =	swait.ge [sflag:s9], $0x2710  }
0x3f: {  	[sflag:s9] =	ssyncset.done $0x0  }
0x40: {  	[sflag:s9] =	ssyncadd.s32 $0xFFFFD8F0  }
0x41: {  	[spmem:s22] =	stream.linear.scatter [tilespmem:s8], [sflag:$0x5], $0x2710, $0x38;
	[tilespmem:$0x1BC28] =	vst v63  }
0x42: {  	_ =	swait.ge [sflag:s7], $0x2710  }
0x43: {  	[sflag:s7] =	ssyncset.done $0x0  }
0x44: {  	[sflag:s7] =	ssyncadd.s32 $0xFFFFD8F0  }
0x45: {  	[spmem:s21] =	stream.linear.scatter [tilespmem:s5], [sflag:$0x6], $0x2710, $0x38;
	[tilespmem:$0x1BC28] =	vst v63  }
0x46: {  	_ =	swait.ge [sflag:s6], $0x2710  }
0x47: {  	[sflag:s6] =	ssyncset.done $0x0  }
0x48: {  	[sflag:s6] =	ssyncadd.s32 $0xFFFFD8F0  }
0x49: {  	_ =	swait.ge [sflag:s4], $0x2710  }
0x4a: {  	[sflag:s4] =	ssyncset.done $0x0  }
0x4b: {  	[sflag:s4] =	ssyncadd.s32 $0xFFFFD8F0  }
0x4c: {  	[tilespmem:s8], [sflag:$0x3] =	stream.linear.gather [hbm4b:s19+s2], $0x2710, $0x38;
	[tilespmem:$0x1BC28] =	vst v63  }
0x4d: {  	_ = 	snop  }
0x4e: {  	[tilespmem:s5], [sflag:$0x4] =	stream.linear.gather [hbm4b:s20+s2], $0x2710, $0x38;
	[tilespmem:$0x1BC28] =	vst v63  }
0x4f: {  	_ =	swait.ge [sflag:s9], $0x2710  }
0x50: {  	[sflag:s9] =	ssyncset.done $0x0  }
0x51: {  	[sflag:s9] =	ssyncadd.s32 $0xFFFFD8F0  }
0x52: {  	[spmem:s18] =	stream.linear.scatter [tilespmem:s8], [sflag:$0x5], $0x2710, $0x38;
	[tilespmem:$0x1BC28] =	vst v63  }
0x53: {  	_ =	swait.ge [sflag:s7], $0x2710  }
0x54: {  	[sflag:s7] =	ssyncset.done $0x0  }
0x55: {  	[sflag:s7] =	ssyncadd.s32 $0xFFFFD8F0  }
0x56: {  	[spmem:s17] =	stream.linear.scatter [tilespmem:s5], [sflag:$0x6], $0x2710, $0x38;
	[tilespmem:$0x1BC28] =	vst v63  }
0x57: {  	_ =	swait.ge [sflag:s6], $0x2710  }
0x58: {  	[sflag:s6] =	ssyncset.done $0x0  }
0x59: {  	[sflag:s6] =	ssyncadd.s32 $0xFFFFD8F0  }
0x5a: {  	_ =	swait.ge [sflag:s4], $0x2710  }
0x5b: {  	s0 =	simm.s32 @!p0 $0x0;
	[sflag:s4] =	ssyncset.done $0x0  }
0x5c: {  	s30 =	simm.s32 @!p0 $0x15828;
	s28 =	simm.s32 @!p0 $0x3;
	[sflag:s4] =	ssyncadd.s32 $0xFFFFD8F0  }
0x5d: {  	[tilespmem:s30], [sflag:$0x3] =	stream.linear.gather @!p0 [hbm4b:s16+s0], $0x2710, $0x38;
	[tilespmem:$0x1BC28] =	vst v63  }
0x5e: {  	_ =	swait.ge @!p0 [sflag:s28], $0x2710  }
0x5f: {  	[sflag:s28] =	ssyncset.done @!p0 $0x0  }
0x60: {  	s31 =	simm.s32 @!p0 $0x5;
	[sflag:s28] =	ssyncadd.s32 @!p0 $0xFFFFD8F0  }
0x61: {  	[spmem:s15] =	stream.linear.scatter @!p0 [tilespmem:s30], [sflag:$0x5], $0x2710, $0x38;
	[tilespmem:$0x1BC28] =	vst v63  }
0x62: {  	_ =	swait.ge @!p0 [sflag:s31], $0x2710  }
0x63: {  	[sflag:s31] =	ssyncset.done @!p0 $0x0  }
0x64: {  	[sflag:s31] =	ssyncadd.s32 @!p0 $0xFFFFD8F0  }
0x65: {  	[bflag:$0x0] =	sbarrier.arrive $0xFFFF  }
0x66: {  	_ =	swait.ge [sflag:s14], $0x3200  }
0x67: {  	[sflag:s14] =	ssyncset.done $0x0  }
0x68: {  	[sflag:s14] =	ssyncadd.s32 $0xFFFFCE00  }
0x69: {  	[tilespmem:s8], [sflag:$0x3] =	stream.indirect.gather [spmem:s3], $0x1, s12, s11, $0xb8;
	[tilespmem:$0x1BC28] =	vst v63  }
0x6a: {  	_ =	swait.ge [sflag:s13], $0x3200  }
0x6b: {  	[sflag:s13] =	ssyncset.done $0x0  }
0x6c: {  	[sflag:s13] =	ssyncadd.s32 $0xFFFFCE00  }
0x6d: {  	[tilespmem:s5], [sflag:$0x4] =	stream.indirect.gather [spmem:s3], $0x1, s10, s11, $0xb8;
	[tilespmem:$0x1BC28] =	vst v63  }
0x6e: {  	_ =	swait.ge [sflag:s9], $0x3200  }
0x6f: {  	[sflag:s9] =	ssyncset.done $0x0  }
0x70: {  	s0 =	rddreg [dreg:$0x7];
	[sflag:s9] =	ssyncadd.s32 $0xFFFFCE00  }
0x71: {  	[hbm4b:s0+s2] =	stream.linear.scatter [tilespmem:s8], [sflag:$0x5], $0x3200, $0x38;
	[tilespmem:$0x1BC28] =	vst v63  }
0x72: {  	s29 =	smov.u32 s1;
	s1 =	rddreg [dreg:$0x8]  }
0x73: {  	[tilespmem:s12], [sflag:$0x1] =	stream.linear.gather [hbm4b:s1+s2], $0x3200, $0x38;
	[tilespmem:$0x1BC28] =	vst v63  }
0x74: {  	_ =	swait.ge [sflag:s14], $0x3200  }
0x75: {  	[sflag:s14] =	ssyncset.done $0x0  }
0x76: {  	[sflag:s14] =	ssyncadd.s32 $0xFFFFCE00  }
0x77: {  	_ =	swait.ge [sflag:s6], $0x3200  }
0x78: {  	[sflag:s6] =	ssyncset.done $0x0  }
0x79: {  	[sflag:s6] =	ssyncadd.s32 $0xFFFFCE00  }
0x7a: {  	[tilespmem:s8], [sflag:$0x3] =	stream.indirect.gather [spmem:s3], $0x1, s12, s11, $0xb8;
	[tilespmem:$0x1BC28] =	vst v63  }
0x7b: {  	_ =	swait.ge [sflag:s7], $0x3200  }
0x7c: {  	[sflag:s7] =	ssyncset.done $0x0  }
0x7d: {  	s0 =	rddreg [dreg:$0x9];
	[sflag:s7] =	ssyncadd.s32 $0xFFFFCE00  }
0x7e: {  	[hbm4b:s0+s2] =	stream.linear.scatter [tilespmem:s5], [sflag:$0x6], $0x3200, $0x38;
	[tilespmem:$0x1BC28] =	vst v63  }
0x7f: {  	s1 =	rddreg [dreg:$0xa]  }
0x80: {  	[tilespmem:s10], [sflag:$0x2] =	stream.linear.gather [hbm4b:s1+s2], $0x3200, $0x38;
	[tilespmem:$0x1BC28] =	vst v63  }
0x81: {  	_ =	swait.ge [sflag:s13], $0x3200  }
0x82: {  	[sflag:s13] =	ssyncset.done $0x0  }
0x83: {  	[sflag:s13] =	ssyncadd.s32 $0xFFFFCE00  }
0x84: {  	_ =	swait.ge [sflag:s4], $0x3200  }
0x85: {  	[sflag:s4] =	ssyncset.done $0x0  }
0x86: {  	[sflag:s4] =	ssyncadd.s32 $0xFFFFCE00  }
0x87: {  	[tilespmem:s5], [sflag:$0x4] =	stream.indirect.gather [spmem:s3], $0x1, s10, s11, $0xb8;
	[tilespmem:$0x1BC28] =	vst v63  }
0x88: {  	_ =	swait.ge [sflag:s9], $0x3200  }
0x89: {  	[sflag:s9] =	ssyncset.done $0x0  }
0x8a: {  	s0 =	rddreg [dreg:$0xb];
	[sflag:s9] =	ssyncadd.s32 $0xFFFFCE00  }
0x8b: {  	[hbm4b:s0+s2] =	stream.linear.scatter [tilespmem:s8], [sflag:$0x5], $0x3200, $0x38;
	[tilespmem:$0x1BC28] =	vst v63  }
0x8c: {  	s1 =	rddreg [dreg:$0xc]  }
0x8d: {  	[tilespmem:s12], [sflag:$0x1] =	stream.linear.gather [hbm4b:s1+s2], $0x3200, $0x38;
	[tilespmem:$0x1BC28] =	vst v63  }
0x8e: {  	_ =	swait.ge [sflag:s14], $0x3200  }
0x8f: {  	[sflag:s14] =	ssyncset.done $0x0  }
0x90: {  	[sflag:s14] =	ssyncadd.s32 $0xFFFFCE00  }
0x91: {  	_ =	swait.ge [sflag:s6], $0x3200  }
0x92: {  	[sflag:s6] =	ssyncset.done $0x0  }
0x93: {  	[sflag:s6] =	ssyncadd.s32 $0xFFFFCE00  }
0x94: {  	[tilespmem:s8], [sflag:$0x3] =	stream.indirect.gather [spmem:s3], $0x1, s12, s11, $0xb8;
	[tilespmem:$0x1BC28] =	vst v63  }
0x95: {  	_ =	swait.ge [sflag:s7], $0x3200  }
0x96: {  	[sflag:s7] =	ssyncset.done $0x0  }
0x97: {  	s0 =	rddreg [dreg:$0xd];
	[sflag:s7] =	ssyncadd.s32 $0xFFFFCE00  }
0x98: {  	[hbm4b:s0+s2] =	stream.linear.scatter [tilespmem:s5], [sflag:$0x6], $0x3200, $0x38;
	[tilespmem:$0x1BC28] =	vst v63  }
0x99: {  	s1 =	rddreg [dreg:$0xe]  }
0x9a: {  	[tilespmem:s10], [sflag:$0x2] =	stream.linear.gather [hbm4b:s1+s2], $0x3200, $0x38;
	[tilespmem:$0x1BC28] =	vst v63  }
0x9b: {  	_ =	swait.ge [sflag:s13], $0x3200  }
0x9c: {  	[sflag:s13] =	ssyncset.done $0x0  }
0x9d: {  	[sflag:s13] =	ssyncadd.s32 $0xFFFFCE00  }
0x9e: {  	_ =	swait.ge [sflag:s4], $0x3200  }
0x9f: {  	[sflag:s4] =	ssyncset.done $0x0  }
0xa0: {  	[sflag:s4] =	ssyncadd.s32 $0xFFFFCE00  }
0xa1: {  	[tilespmem:s5], [sflag:$0x4] =	stream.indirect.gather [spmem:s3], $0x1, s10, s11, $0xb8;
	[tilespmem:$0x1BC28] =	vst v63  }
0xa2: {  	_ =	swait.ge [sflag:s9], $0x3200  }
0xa3: {  	[sflag:s9] =	ssyncset.done $0x0  }
0xa4: {  	s0 =	rddreg [dreg:$0xf];
	[sflag:s9] =	ssyncadd.s32 $0xFFFFCE00  }
0xa5: {  	[hbm4b:s0+s2] =	stream.linear.scatter [tilespmem:s8], [sflag:$0x5], $0x3200, $0x38;
	[tilespmem:$0x1BC28] =	vst v63  }
0xa6: {  	s1 =	rddreg [dreg:$0x10]  }
0xa7: {  	[tilespmem:s12], [sflag:$0x1] =	stream.linear.gather [hbm4b:s1+s2], $0x3200, $0x38;
	[tilespmem:$0x1BC28] =	vst v63  }
0xa8: {  	_ =	swait.ge [sflag:s14], $0x3200  }
0xa9: {  	[sflag:s14] =	ssyncset.done $0x0  }
0xaa: {  	[sflag:s14] =	ssyncadd.s32 $0xFFFFCE00  }
0xab: {  	_ =	swait.ge [sflag:s6], $0x3200  }
0xac: {  	[sflag:s6] =	ssyncset.done $0x0  }
0xad: {  	[sflag:s6] =	ssyncadd.s32 $0xFFFFCE00  }
0xae: {  	[tilespmem:s8], [sflag:$0x3] =	stream.indirect.gather [spmem:s3], $0x1, s12, s11, $0xb8;
	[tilespmem:$0x1BC28] =	vst v63  }
0xaf: {  	_ =	swait.ge [sflag:s7], $0x3200  }
0xb0: {  	[sflag:s7] =	ssyncset.done $0x0  }
0xb1: {  	s0 =	rddreg [dreg:$0x11];
	[sflag:s7] =	ssyncadd.s32 $0xFFFFCE00  }
0xb2: {  	[hbm4b:s0+s2] =	stream.linear.scatter [tilespmem:s5], [sflag:$0x6], $0x3200, $0x38;
	[tilespmem:$0x1BC28] =	vst v63  }
0xb3: {  	s1 =	rddreg [dreg:$0x12]  }
0xb4: {  	[tilespmem:s10], [sflag:$0x2] =	stream.linear.gather [hbm4b:s1+s2], $0x3200, $0x38;
	[tilespmem:$0x1BC28] =	vst v63  }
0xb5: {  	_ =	swait.ge [sflag:s13], $0x3200  }
0xb6: {  	[sflag:s13] =	ssyncset.done $0x0  }
0xb7: {  	[sflag:s13] =	ssyncadd.s32 $0xFFFFCE00  }
0xb8: {  	_ =	swait.ge [sflag:s4], $0x3200  }
0xb9: {  	[sflag:s4] =	ssyncset.done $0x0  }
0xba: {  	[sflag:s4] =	ssyncadd.s32 $0xFFFFCE00  }
0xbb: {  	[tilespmem:s5], [sflag:$0x4] =	stream.indirect.gather [spmem:s3], $0x1, s10, s11, $0xb8;
	[tilespmem:$0x1BC28] =	vst v63  }
0xbc: {  	_ =	swait.ge [sflag:s9], $0x3200  }
0xbd: {  	[sflag:s9] =	ssyncset.done $0x0  }
0xbe: {  	s1 =	rddreg [dreg:$0x13];
	[sflag:s9] =	ssyncadd.s32 $0xFFFFCE00  }
0xbf: {  	[hbm4b:s1+s2] =	stream.linear.scatter [tilespmem:s8], [sflag:$0x5], $0x3200, $0x38;
	[tilespmem:$0x1BC28] =	vst v63  }
0xc0: {  	_ =	swait.ge [sflag:s7], $0x3200  }
0xc1: {  	[sflag:s7] =	ssyncset.done $0x0  }
0xc2: {  	s1 =	rddreg [dreg:$0x14];
	[sflag:s7] =	ssyncadd.s32 $0xFFFFCE00  }
0xc3: {  	[hbm4b:s1+s2] =	stream.linear.scatter [tilespmem:s5], [sflag:$0x6], $0x3200, $0x38;
	[tilespmem:$0x1BC28] =	vst v63  }
0xc4: {  	s1 =	sadd.s32 $0xFFFFFFFF, s29  }
0xc5: {  	p2 =	sne.s32 s1, $0x0  }
.Ltmp1:
0xc6: {  	_ =	swait.ge [sflag:s6], $0x3200;
	(pc) =	sbr.rel @!p2 .LBB2_2-.Ltmp1, $4  }
0xc7: {  	[sflag:s6] =	ssyncset.done $0x0  }
0xc8: {  	[sflag:s6] =	ssyncadd.s32 $0xFFFFCE00  }
0xc9: {  	_ =	swait.ge [sflag:s4], $0x3200  }
0xca: {  	p1 =	por $0x1, $0x1;
	s0 =	rddreg [dreg:$0x5];
	[sflag:s4] =	ssyncset.done $0x0  }
.LBB2_3:
0xcb: {  	[sflag:s4] =	ssyncadd.s32 $0xFFFFCE00  }
0xcc: {  	[tilespmem:s12], [sflag:$0x1] =	stream.linear.gather [hbm4b:s0+s2], $0x3200, $0x38;
	[tilespmem:$0x1BC28] =	vst v63  }
0xcd: {  	s29 =	rddreg [dreg:$0x6]  }
0xce: {  	[tilespmem:s10], [sflag:$0x2] =	stream.linear.gather [hbm4b:s29+s2], $0x3200, $0x38;
	[tilespmem:$0x1BC28] =	vst v63  }
0xcf: {  	s0 =	rddreg [dreg:$0x15]  }
0xd0: {  	[tilespmem:s8], [sflag:$0x3] =	stream.linear.gather [hbm4b:s0+s2], $0x2710, $0x38;
	[tilespmem:$0x1BC28] =	vst v63  }
0xd1: {  	s29 =	rddreg [dreg:$0x16]  }
0xd2: {  	[tilespmem:s5], [sflag:$0x4] =	stream.linear.gather [hbm4b:s29+s2], $0x2710, $0x38;
	[tilespmem:$0x1BC28] =	vst v63  }
0xd3: {  	_ =	swait.ge [sflag:s9], $0x2710  }
0xd4: {  	[sflag:s9] =	ssyncset.done $0x0  }
0xd5: {  	[sflag:s9] =	ssyncadd.s32 $0xFFFFD8F0  }
0xd6: {  	[spmem:s26] =	stream.linear.scatter [tilespmem:s8], [sflag:$0x5], $0x2710, $0x38;
	[tilespmem:$0x1BC28] =	vst v63  }
0xd7: {  	_ =	swait.ge [sflag:s7], $0x2710  }
0xd8: {  	[sflag:s7] =	ssyncset.done $0x0  }
0xd9: {  	[sflag:s7] =	ssyncadd.s32 $0xFFFFD8F0  }
0xda: {  	[spmem:s25] =	stream.linear.scatter [tilespmem:s5], [sflag:$0x6], $0x2710, $0x38;
	[tilespmem:$0x1BC28] =	vst v63  }
0xdb: {  	_ =	swait.ge [sflag:s6], $0x2710  }
0xdc: {  	[sflag:s6] =	ssyncset.done $0x0  }
0xdd: {  	[sflag:s6] =	ssyncadd.s32 $0xFFFFD8F0  }
0xde: {  	_ =	swait.ge [sflag:s4], $0x2710  }
0xdf: {  	[sflag:s4] =	ssyncset.done $0x0  }
0xe0: {  	[sflag:s4] =	ssyncadd.s32 $0xFFFFD8F0  }
0xe1: {  	[tilespmem:s8], [sflag:$0x3] =	stream.linear.gather [hbm4b:s23+s2], $0x2710, $0x38;
	[tilespmem:$0x1BC28] =	vst v63  }
0xe2: {  	_ = 	snop  }
0xe3: {  	[tilespmem:s5], [sflag:$0x4] =	stream.linear.gather [hbm4b:s24+s2], $0x2710, $0x38;
	[tilespmem:$0x1BC28] =	vst v63  }
0xe4: {  	_ =	swait.ge [sflag:s9], $0x2710  }
0xe5: {  	[sflag:s9] =	ssyncset.done $0x0  }
0xe6: {  	[sflag:s9] =	ssyncadd.s32 $0xFFFFD8F0  }
0xe7: {  	[spmem:s22] =	stream.linear.scatter [tilespmem:s8], [sflag:$0x5], $0x2710, $0x38;
	[tilespmem:$0x1BC28] =	vst v63  }
0xe8: {  	_ =	swait.ge [sflag:s7], $0x2710  }
0xe9: {  	[sflag:s7] =	ssyncset.done $0x0  }
0xea: {  	[sflag:s7] =	ssyncadd.s32 $0xFFFFD8F0  }
0xeb: {  	[spmem:s21] =	stream.linear.scatter [tilespmem:s5], [sflag:$0x6], $0x2710, $0x38;
	[tilespmem:$0x1BC28] =	vst v63  }
0xec: {  	_ =	swait.ge [sflag:s6], $0x2710  }
0xed: {  	[sflag:s6] =	ssyncset.done $0x0  }
0xee: {  	[sflag:s6] =	ssyncadd.s32 $0xFFFFD8F0  }
0xef: {  	_ =	swait.ge [sflag:s4], $0x2710  }
0xf0: {  	[sflag:s4] =	ssyncset.done $0x0  }
0xf1: {  	[sflag:s4] =	ssyncadd.s32 $0xFFFFD8F0  }
0xf2: {  	[tilespmem:s8], [sflag:$0x3] =	stream.linear.gather [hbm4b:s19+s2], $0x2710, $0x38;
	[tilespmem:$0x1BC28] =	vst v63  }
0xf3: {  	_ = 	snop  }
0xf4: {  	[tilespmem:s5], [sflag:$0x4] =	stream.linear.gather [hbm4b:s20+s2], $0x2710, $0x38;
	[tilespmem:$0x1BC28] =	vst v63  }
0xf5: {  	_ =	swait.ge [sflag:s9], $0x2710  }
0xf6: {  	[sflag:s9] =	ssyncset.done $0x0  }
0xf7: {  	[sflag:s9] =	ssyncadd.s32 $0xFFFFD8F0  }
0xf8: {  	[spmem:s18] =	stream.linear.scatter [tilespmem:s8], [sflag:$0x5], $0x2710, $0x38;
	[tilespmem:$0x1BC28] =	vst v63  }
0xf9: {  	_ =	swait.ge [sflag:s7], $0x2710  }
0xfa: {  	[sflag:s7] =	ssyncset.done $0x0  }
0xfb: {  	[sflag:s7] =	ssyncadd.s32 $0xFFFFD8F0  }
0xfc: {  	[spmem:s17] =	stream.linear.scatter [tilespmem:s5], [sflag:$0x6], $0x2710, $0x38;
	[tilespmem:$0x1BC28] =	vst v63  }
0xfd: {  	_ =	swait.ge [sflag:s6], $0x2710  }
0xfe: {  	[sflag:s6] =	ssyncset.done $0x0  }
0xff: {  	[sflag:s6] =	ssyncadd.s32 $0xFFFFD8F0  }
0x100: {  	_ =	swait.ge [sflag:s4], $0x2710  }
0x101: {  	[sflag:s4] =	ssyncset.done $0x0  }
0x102: {  	s0 =	simm.s32 @!p0 $0x0;
	[sflag:s4] =	ssyncadd.s32 $0xFFFFD8F0  }
0x103: {  	[tilespmem:s30], [sflag:$0x3] =	stream.linear.gather @!p0 [hbm4b:s16+s0], $0x2710, $0x38;
	[tilespmem:$0x1BC28] =	vst v63  }
0x104: {  	_ =	swait.ge @!p0 [sflag:s28], $0x2710  }
0x105: {  	[sflag:s28] =	ssyncset.done @!p0 $0x0  }
0x106: {  	[sflag:s28] =	ssyncadd.s32 @!p0 $0xFFFFD8F0  }
0x107: {  	[spmem:s15] =	stream.linear.scatter @!p0 [tilespmem:s30], [sflag:$0x5], $0x2710, $0x38;
	[tilespmem:$0x1BC28] =	vst v63  }
0x108: {  	_ =	swait.ge @!p0 [sflag:s31], $0x2710  }
0x109: {  	[sflag:s31] =	ssyncset.done @!p0 $0x0  }
0x10a: {  	[sflag:s31] =	ssyncadd.s32 @!p0 $0xFFFFD8F0  }
0x10b: {  	[bflag:$0x0] =	sbarrier.arrive $0xFFFF  }
0x10c: {  	_ =	swait.ge [sflag:s14], $0x3200  }
0x10d: {  	[sflag:s14] =	ssyncset.done $0x0  }
0x10e: {  	[sflag:s14] =	ssyncadd.s32 $0xFFFFCE00  }
0x10f: {  	[tilespmem:s8], [sflag:$0x3] =	stream.indirect.gather [spmem:s3], $0x1, s12, s11, $0xb8;
	[tilespmem:$0x1BC28] =	vst v63  }
0x110: {  	_ =	swait.ge [sflag:s13], $0x3200  }
0x111: {  	[sflag:s13] =	ssyncset.done $0x0  }
0x112: {  	[sflag:s13] =	ssyncadd.s32 $0xFFFFCE00  }
0x113: {  	[tilespmem:s5], [sflag:$0x4] =	stream.indirect.gather [spmem:s3], $0x1, s10, s11, $0xb8;
	[tilespmem:$0x1BC28] =	vst v63  }
0x114: {  	_ =	swait.ge [sflag:s9], $0x3200  }
0x115: {  	[sflag:s9] =	ssyncset.done $0x0  }
0x116: {  	s0 =	rddreg [dreg:$0x7];
	[sflag:s9] =	ssyncadd.s32 $0xFFFFCE00  }
0x117: {  	[hbm4b:s0+s2] =	stream.linear.scatter [tilespmem:s8], [sflag:$0x5], $0x3200, $0x38;
	[tilespmem:$0x1BC28] =	vst v63  }
0x118: {  	s29 =	rddreg [dreg:$0x8]  }
0x119: {  	[tilespmem:s12], [sflag:$0x1] =	stream.linear.gather [hbm4b:s29+s2], $0x3200, $0x38;
	[tilespmem:$0x1BC28] =	vst v63  }
0x11a: {  	_ =	swait.ge [sflag:s14], $0x3200  }
0x11b: {  	[sflag:s14] =	ssyncset.done $0x0  }
0x11c: {  	[sflag:s14] =	ssyncadd.s32 $0xFFFFCE00  }
0x11d: {  	_ =	swait.ge [sflag:s6], $0x3200  }
0x11e: {  	[sflag:s6] =	ssyncset.done $0x0  }
0x11f: {  	[sflag:s6] =	ssyncadd.s32 $0xFFFFCE00  }
0x120: {  	[tilespmem:s8], [sflag:$0x3] =	stream.indirect.gather [spmem:s3], $0x1, s12, s11, $0xb8;
	[tilespmem:$0x1BC28] =	vst v63  }
0x121: {  	_ =	swait.ge [sflag:s7], $0x3200  }
0x122: {  	[sflag:s7] =	ssyncset.done $0x0  }
0x123: {  	s0 =	rddreg [dreg:$0x9];
	[sflag:s7] =	ssyncadd.s32 $0xFFFFCE00  }
0x124: {  	[hbm4b:s0+s2] =	stream.linear.scatter [tilespmem:s5], [sflag:$0x6], $0x3200, $0x38;
	[tilespmem:$0x1BC28] =	vst v63  }
0x125: {  	s29 =	rddreg [dreg:$0xa]  }
0x126: {  	[tilespmem:s10], [sflag:$0x2] =	stream.linear.gather [hbm4b:s29+s2], $0x3200, $0x38;
	[tilespmem:$0x1BC28] =	vst v63  }
0x127: {  	_ =	swait.ge [sflag:s13], $0x3200  }
0x128: {  	[sflag:s13] =	ssyncset.done $0x0  }
0x129: {  	[sflag:s13] =	ssyncadd.s32 $0xFFFFCE00  }
0x12a: {  	_ =	swait.ge [sflag:s4], $0x3200  }
0x12b: {  	[sflag:s4] =	ssyncset.done $0x0  }
0x12c: {  	[sflag:s4] =	ssyncadd.s32 $0xFFFFCE00  }
0x12d: {  	[tilespmem:s5], [sflag:$0x4] =	stream.indirect.gather [spmem:s3], $0x1, s10, s11, $0xb8;
	[tilespmem:$0x1BC28] =	vst v63  }
0x12e: {  	_ =	swait.ge [sflag:s9], $0x3200  }
0x12f: {  	[sflag:s9] =	ssyncset.done $0x0  }
0x130: {  	s0 =	rddreg [dreg:$0xb];
	[sflag:s9] =	ssyncadd.s32 $0xFFFFCE00  }
0x131: {  	[hbm4b:s0+s2] =	stream.linear.scatter [tilespmem:s8], [sflag:$0x5], $0x3200, $0x38;
	[tilespmem:$0x1BC28] =	vst v63  }
0x132: {  	s29 =	rddreg [dreg:$0xc]  }
0x133: {  	[tilespmem:s12], [sflag:$0x1] =	stream.linear.gather [hbm4b:s29+s2], $0x3200, $0x38;
	[tilespmem:$0x1BC28] =	vst v63  }
0x134: {  	_ =	swait.ge [sflag:s14], $0x3200  }
0x135: {  	[sflag:s14] =	ssyncset.done $0x0  }
0x136: {  	[sflag:s14] =	ssyncadd.s32 $0xFFFFCE00  }
0x137: {  	_ =	swait.ge [sflag:s6], $0x3200  }
0x138: {  	[sflag:s6] =	ssyncset.done $0x0  }
0x139: {  	[sflag:s6] =	ssyncadd.s32 $0xFFFFCE00  }
0x13a: {  	[tilespmem:s8], [sflag:$0x3] =	stream.indirect.gather [spmem:s3], $0x1, s12, s11, $0xb8;
	[tilespmem:$0x1BC28] =	vst v63  }
0x13b: {  	_ =	swait.ge [sflag:s7], $0x3200  }
0x13c: {  	[sflag:s7] =	ssyncset.done $0x0  }
0x13d: {  	s0 =	rddreg [dreg:$0xd];
	[sflag:s7] =	ssyncadd.s32 $0xFFFFCE00  }
0x13e: {  	[hbm4b:s0+s2] =	stream.linear.scatter [tilespmem:s5], [sflag:$0x6], $0x3200, $0x38;
	[tilespmem:$0x1BC28] =	vst v63  }
0x13f: {  	s29 =	rddreg [dreg:$0xe]  }
0x140: {  	[tilespmem:s10], [sflag:$0x2] =	stream.linear.gather [hbm4b:s29+s2], $0x3200, $0x38;
	[tilespmem:$0x1BC28] =	vst v63  }
0x141: {  	_ =	swait.ge [sflag:s13], $0x3200  }
0x142: {  	[sflag:s13] =	ssyncset.done $0x0  }
0x143: {  	[sflag:s13] =	ssyncadd.s32 $0xFFFFCE00  }
0x144: {  	_ =	swait.ge [sflag:s4], $0x3200  }
0x145: {  	[sflag:s4] =	ssyncset.done $0x0  }
0x146: {  	[sflag:s4] =	ssyncadd.s32 $0xFFFFCE00  }
0x147: {  	[tilespmem:s5], [sflag:$0x4] =	stream.indirect.gather [spmem:s3], $0x1, s10, s11, $0xb8;
	[tilespmem:$0x1BC28] =	vst v63  }
0x148: {  	_ =	swait.ge [sflag:s9], $0x3200  }
0x149: {  	[sflag:s9] =	ssyncset.done $0x0  }
0x14a: {  	s0 =	rddreg [dreg:$0xf];
	[sflag:s9] =	ssyncadd.s32 $0xFFFFCE00  }
0x14b: {  	[hbm4b:s0+s2] =	stream.linear.scatter [tilespmem:s8], [sflag:$0x5], $0x3200, $0x38;
	[tilespmem:$0x1BC28] =	vst v63  }
0x14c: {  	s29 =	rddreg [dreg:$0x10]  }
0x14d: {  	[tilespmem:s12], [sflag:$0x1] =	stream.linear.gather [hbm4b:s29+s2], $0x3200, $0x38;
	[tilespmem:$0x1BC28] =	vst v63  }
0x14e: {  	_ =	swait.ge [sflag:s14], $0x3200  }
0x14f: {  	[sflag:s14] =	ssyncset.done $0x0  }
0x150: {  	[sflag:s14] =	ssyncadd.s32 $0xFFFFCE00  }
0x151: {  	_ =	swait.ge [sflag:s6], $0x3200  }
0x152: {  	[sflag:s6] =	ssyncset.done $0x0  }
0x153: {  	[sflag:s6] =	ssyncadd.s32 $0xFFFFCE00  }
0x154: {  	[tilespmem:s8], [sflag:$0x3] =	stream.indirect.gather [spmem:s3], $0x1, s12, s11, $0xb8;
	[tilespmem:$0x1BC28] =	vst v63  }
0x155: {  	_ =	swait.ge [sflag:s7], $0x3200  }
0x156: {  	[sflag:s7] =	ssyncset.done $0x0  }
0x157: {  	s0 =	rddreg [dreg:$0x11];
	[sflag:s7] =	ssyncadd.s32 $0xFFFFCE00  }
0x158: {  	[hbm4b:s0+s2] =	stream.linear.scatter [tilespmem:s5], [sflag:$0x6], $0x3200, $0x38;
	[tilespmem:$0x1BC28] =	vst v63  }
0x159: {  	s29 =	rddreg [dreg:$0x12]  }
0x15a: {  	[tilespmem:s10], [sflag:$0x2] =	stream.linear.gather [hbm4b:s29+s2], $0x3200, $0x38;
	[tilespmem:$0x1BC28] =	vst v63  }
0x15b: {  	_ =	swait.ge [sflag:s13], $0x3200  }
0x15c: {  	[sflag:s13] =	ssyncset.done $0x0  }
0x15d: {  	[sflag:s13] =	ssyncadd.s32 $0xFFFFCE00  }
0x15e: {  	_ =	swait.ge [sflag:s4], $0x3200  }
0x15f: {  	[sflag:s4] =	ssyncset.done $0x0  }
0x160: {  	[sflag:s4] =	ssyncadd.s32 $0xFFFFCE00  }
0x161: {  	[tilespmem:s5], [sflag:$0x4] =	stream.indirect.gather [spmem:s3], $0x1, s10, s11, $0xb8;
	[tilespmem:$0x1BC28] =	vst v63  }
0x162: {  	_ =	swait.ge [sflag:s9], $0x3200  }
0x163: {  	[sflag:s9] =	ssyncset.done $0x0  }
0x164: {  	s29 =	rddreg [dreg:$0x13];
	[sflag:s9] =	ssyncadd.s32 $0xFFFFCE00  }
0x165: {  	[hbm4b:s29+s2] =	stream.linear.scatter [tilespmem:s8], [sflag:$0x5], $0x3200, $0x38;
	[tilespmem:$0x1BC28] =	vst v63  }
0x166: {  	_ =	swait.ge [sflag:s7], $0x3200  }
0x167: {  	s1 =	sadd.s32 $0xFFFFFFFF, s1;
	[sflag:s7] =	ssyncset.done $0x0  }
0x168: {  	p2 =	sne.s32 s1, $0x0;
	s29 =	rddreg [dreg:$0x14];
	[sflag:s7] =	ssyncadd.s32 $0xFFFFCE00  }
0x169: {  	[hbm4b:s29+s2] =	stream.linear.scatter [tilespmem:s5], [sflag:$0x6], $0x3200, $0x38;
	[tilespmem:$0x1BC28] =	vst v63  }
.Ltmp2:
0x16a: {  	_ =	swait.ge [sflag:s6], $0x3200;
	(pc) =	sbr.rel @p2 .LBB2_3-.Ltmp2, $4  }
0x16b: {  	[sflag:s6] =	ssyncset.done $0x0  }
0x16c: {  	[sflag:s6] =	ssyncadd.s32 $0xFFFFCE00  }
0x16d: {  	_ =	swait.ge [sflag:s4], $0x3200  }
0x16e: {  	s0 =	rddreg [dreg:$0x5];
	[sflag:s4] =	ssyncset.done $0x0  }
0x16f: {  	s28 =	stileid.u32;
	s29 =	rddreg [dreg:$0x4]  }
.LBB2_5:
0x170: {  	[sflag:s4] =	ssyncadd.s32 @p1 $0xFFFFCE00  }
0x171: {  	[tilespmem:s12], [sflag:$0x1] =	stream.linear.gather [hbm4b:s0+s2], $0x3200, $0x38;
	[tilespmem:$0x1BC28] =	vst v63  }
0x172: {  	s1 =	rddreg [dreg:$0x6]  }
0x173: {  	[tilespmem:s10], [sflag:$0x2] =	stream.linear.gather [hbm4b:s1+s2], $0x3200, $0x38;
	[tilespmem:$0x1BC28] =	vst v63  }
0x174: {  	s30 =	rddreg [dreg:$0x15]  }
0x175: {  	[tilespmem:s8], [sflag:$0x3] =	stream.linear.gather [hbm4b:s30+s2], $0x2710, $0x38;
	[tilespmem:$0x1BC28] =	vst v63  }
0x176: {  	s31 =	rddreg [dreg:$0x16]  }
0x177: {  	[tilespmem:s5], [sflag:$0x4] =	stream.linear.gather [hbm4b:s31+s2], $0x2710, $0x38;
	[tilespmem:$0x1BC28] =	vst v63  }
0x178: {  	_ =	swait.ge [sflag:s9], $0x2710  }
0x179: {  	[sflag:s9] =	ssyncset.done $0x0  }
0x17a: {  	[sflag:s9] =	ssyncadd.s32 $0xFFFFD8F0  }
0x17b: {  	[spmem:s26] =	stream.linear.scatter [tilespmem:s8], [sflag:$0x5], $0x2710, $0x38;
	[tilespmem:$0x1BC28] =	vst v63  }
0x17c: {  	_ =	swait.ge [sflag:s7], $0x2710  }
0x17d: {  	[sflag:s7] =	ssyncset.done $0x0  }
0x17e: {  	[sflag:s7] =	ssyncadd.s32 $0xFFFFD8F0  }
0x17f: {  	[spmem:s25] =	stream.linear.scatter [tilespmem:s5], [sflag:$0x6], $0x2710, $0x38;
	[tilespmem:$0x1BC28] =	vst v63  }
0x180: {  	_ =	swait.ge [sflag:s6], $0x2710  }
0x181: {  	[sflag:s6] =	ssyncset.done $0x0  }
0x182: {  	[sflag:s6] =	ssyncadd.s32 $0xFFFFD8F0  }
0x183: {  	_ =	swait.ge [sflag:s4], $0x2710  }
0x184: {  	[sflag:s4] =	ssyncset.done $0x0  }
0x185: {  	[sflag:s4] =	ssyncadd.s32 $0xFFFFD8F0  }
0x186: {  	[tilespmem:s8], [sflag:$0x3] =	stream.linear.gather [hbm4b:s23+s2], $0x2710, $0x38;
	[tilespmem:$0x1BC28] =	vst v63  }
0x187: {  	_ = 	snop  }
0x188: {  	[tilespmem:s5], [sflag:$0x4] =	stream.linear.gather [hbm4b:s24+s2], $0x2710, $0x38;
	[tilespmem:$0x1BC28] =	vst v63  }
0x189: {  	_ =	swait.ge [sflag:s9], $0x2710  }
0x18a: {  	[sflag:s9] =	ssyncset.done $0x0  }
0x18b: {  	[sflag:s9] =	ssyncadd.s32 $0xFFFFD8F0  }
0x18c: {  	[spmem:s22] =	stream.linear.scatter [tilespmem:s8], [sflag:$0x5], $0x2710, $0x38;
	[tilespmem:$0x1BC28] =	vst v63  }
0x18d: {  	_ =	swait.ge [sflag:s7], $0x2710  }
0x18e: {  	[sflag:s7] =	ssyncset.done $0x0  }
0x18f: {  	[sflag:s7] =	ssyncadd.s32 $0xFFFFD8F0  }
0x190: {  	[spmem:s21] =	stream.linear.scatter [tilespmem:s5], [sflag:$0x6], $0x2710, $0x38;
	[tilespmem:$0x1BC28] =	vst v63  }
0x191: {  	_ =	swait.ge [sflag:s6], $0x2710  }
0x192: {  	[sflag:s6] =	ssyncset.done $0x0  }
0x193: {  	[sflag:s6] =	ssyncadd.s32 $0xFFFFD8F0  }
0x194: {  	_ =	swait.ge [sflag:s4], $0x2710  }
0x195: {  	[sflag:s4] =	ssyncset.done $0x0  }
0x196: {  	[sflag:s4] =	ssyncadd.s32 $0xFFFFD8F0  }
0x197: {  	[tilespmem:s8], [sflag:$0x3] =	stream.linear.gather [hbm4b:s19+s2], $0x2710, $0x38;
	[tilespmem:$0x1BC28] =	vst v63  }
0x198: {  	_ = 	snop  }
0x199: {  	[tilespmem:s5], [sflag:$0x4] =	stream.linear.gather [hbm4b:s20+s2], $0x2710, $0x38;
	[tilespmem:$0x1BC28] =	vst v63  }
0x19a: {  	_ =	swait.ge [sflag:s9], $0x2710  }
0x19b: {  	[sflag:s9] =	ssyncset.done $0x0  }
0x19c: {  	[sflag:s9] =	ssyncadd.s32 $0xFFFFD8F0  }
0x19d: {  	[spmem:s18] =	stream.linear.scatter [tilespmem:s8], [sflag:$0x5], $0x2710, $0x38;
	[tilespmem:$0x1BC28] =	vst v63  }
0x19e: {  	_ =	swait.ge [sflag:s7], $0x2710  }
0x19f: {  	[sflag:s7] =	ssyncset.done $0x0  }
0x1a0: {  	[sflag:s7] =	ssyncadd.s32 $0xFFFFD8F0  }
0x1a1: {  	[spmem:s17] =	stream.linear.scatter [tilespmem:s5], [sflag:$0x6], $0x2710, $0x38;
	[tilespmem:$0x1BC28] =	vst v63  }
0x1a2: {  	_ =	swait.ge [sflag:s6], $0x2710  }
0x1a3: {  	[sflag:s6] =	ssyncset.done $0x0  }
0x1a4: {  	[sflag:s6] =	ssyncadd.s32 $0xFFFFD8F0  }
0x1a5: {  	_ =	swait.ge [sflag:s4], $0x2710  }
0x1a6: {  	[sflag:s4] =	ssyncset.done $0x0  }
0x1a7: {  	s0 =	simm.s32 @!p0 $0x0;
	s1 =	simm.s32 @!p0 $0x15828;
	[sflag:s4] =	ssyncadd.s32 $0xFFFFD8F0  }
0x1a8: {  	[tilespmem:s1], [sflag:$0x3] =	stream.linear.gather @!p0 [hbm4b:s16+s0], $0x2710, $0x38;
	[tilespmem:$0x1BC28] =	vst v63  }
0x1a9: {  	s0 =	simm.s32 @!p0 $0x3  }
0x1aa: {  	_ =	swait.ge @!p0 [sflag:s0], $0x2710  }
0x1ab: {  	[sflag:s0] =	ssyncset.done @!p0 $0x0  }
0x1ac: {  	[sflag:s0] =	ssyncadd.s32 @!p0 $0xFFFFD8F0;
	s0 =	simm.s32 @!p0 $0x5  }
0x1ad: {  	[spmem:s15] =	stream.linear.scatter @!p0 [tilespmem:s1], [sflag:$0x5], $0x2710, $0x38;
	[tilespmem:$0x1BC28] =	vst v63  }
0x1ae: {  	_ =	swait.ge @!p0 [sflag:s0], $0x2710  }
0x1af: {  	[sflag:s0] =	ssyncset.done @!p0 $0x0  }
0x1b0: {  	[sflag:s0] =	ssyncadd.s32 @!p0 $0xFFFFD8F0  }
0x1b1: {  	[bflag:$0x0] =	sbarrier.arrive $0xFFFF  }
0x1b2: {  	_ =	swait.ge [sflag:s14], $0x3200  }
0x1b3: {  	[sflag:s14] =	ssyncset.done $0x0  }
0x1b4: {  	[sflag:s14] =	ssyncadd.s32 $0xFFFFCE00  }
0x1b5: {  	[tilespmem:s8], [sflag:$0x3] =	stream.indirect.gather [spmem:s3], $0x1, s12, s11, $0xb8;
	[tilespmem:$0x1BC28] =	vst v63  }
0x1b6: {  	_ =	swait.ge [sflag:s13], $0x3200  }
0x1b7: {  	[sflag:s13] =	ssyncset.done $0x0  }
0x1b8: {  	[sflag:s13] =	ssyncadd.s32 $0xFFFFCE00  }
0x1b9: {  	[tilespmem:s5], [sflag:$0x4] =	stream.indirect.gather [spmem:s3], $0x1, s10, s11, $0xb8;
	[tilespmem:$0x1BC28] =	vst v63  }
0x1ba: {  	_ =	swait.ge [sflag:s9], $0x3200  }
0x1bb: {  	[sflag:s9] =	ssyncset.done $0x0  }
0x1bc: {  	s15 =	rddreg [dreg:$0x7];
	[sflag:s9] =	ssyncadd.s32 $0xFFFFCE00  }
0x1bd: {  	[hbm4b:s15+s2] =	stream.linear.scatter [tilespmem:s8], [sflag:$0x5], $0x3200, $0x38;
	[tilespmem:$0x1BC28] =	vst v63  }
0x1be: {  	s16 =	rddreg [dreg:$0x8]  }
0x1bf: {  	[tilespmem:s12], [sflag:$0x1] =	stream.linear.gather [hbm4b:s16+s2], $0x3200, $0x38;
	[tilespmem:$0x1BC28] =	vst v63  }
0x1c0: {  	_ =	swait.ge [sflag:s14], $0x3200  }
0x1c1: {  	[sflag:s14] =	ssyncset.done $0x0  }
0x1c2: {  	[sflag:s14] =	ssyncadd.s32 $0xFFFFCE00  }
0x1c3: {  	_ =	swait.ge [sflag:s6], $0x3200  }
0x1c4: {  	[sflag:s6] =	ssyncset.done $0x0  }
0x1c5: {  	[sflag:s6] =	ssyncadd.s32 $0xFFFFCE00  }
0x1c6: {  	[tilespmem:s8], [sflag:$0x3] =	stream.indirect.gather [spmem:s3], $0x1, s12, s11, $0xb8;
	[tilespmem:$0x1BC28] =	vst v63  }
0x1c7: {  	_ =	swait.ge [sflag:s7], $0x3200  }
0x1c8: {  	[sflag:s7] =	ssyncset.done $0x0  }
0x1c9: {  	s17 =	rddreg [dreg:$0x9];
	[sflag:s7] =	ssyncadd.s32 $0xFFFFCE00  }
0x1ca: {  	[hbm4b:s17+s2] =	stream.linear.scatter [tilespmem:s5], [sflag:$0x6], $0x3200, $0x38;
	[tilespmem:$0x1BC28] =	vst v63  }
0x1cb: {  	s18 =	rddreg [dreg:$0xa]  }
0x1cc: {  	[tilespmem:s10], [sflag:$0x2] =	stream.linear.gather [hbm4b:s18+s2], $0x3200, $0x38;
	[tilespmem:$0x1BC28] =	vst v63  }
0x1cd: {  	_ =	swait.ge [sflag:s13], $0x3200  }
0x1ce: {  	[sflag:s13] =	ssyncset.done $0x0  }
0x1cf: {  	[sflag:s13] =	ssyncadd.s32 $0xFFFFCE00  }
0x1d0: {  	_ =	swait.ge [sflag:s4], $0x3200  }
0x1d1: {  	[sflag:s4] =	ssyncset.done $0x0  }
0x1d2: {  	[sflag:s4] =	ssyncadd.s32 $0xFFFFCE00  }
0x1d3: {  	[tilespmem:s5], [sflag:$0x4] =	stream.indirect.gather [spmem:s3], $0x1, s10, s11, $0xb8;
	[tilespmem:$0x1BC28] =	vst v63  }
0x1d4: {  	_ =	swait.ge [sflag:s9], $0x3200  }
0x1d5: {  	[sflag:s9] =	ssyncset.done $0x0  }
0x1d6: {  	s19 =	rddreg [dreg:$0xb];
	[sflag:s9] =	ssyncadd.s32 $0xFFFFCE00  }
0x1d7: {  	[hbm4b:s19+s2] =	stream.linear.scatter [tilespmem:s8], [sflag:$0x5], $0x3200, $0x38;
	[tilespmem:$0x1BC28] =	vst v63  }
0x1d8: {  	s20 =	rddreg [dreg:$0xc]  }
0x1d9: {  	[tilespmem:s12], [sflag:$0x1] =	stream.linear.gather [hbm4b:s20+s2], $0x3200, $0x38;
	[tilespmem:$0x1BC28] =	vst v63  }
0x1da: {  	_ =	swait.ge [sflag:s14], $0x3200  }
0x1db: {  	[sflag:s14] =	ssyncset.done $0x0  }
0x1dc: {  	[sflag:s14] =	ssyncadd.s32 $0xFFFFCE00  }
0x1dd: {  	_ =	swait.ge [sflag:s6], $0x3200  }
0x1de: {  	[sflag:s6] =	ssyncset.done $0x0  }
0x1df: {  	[sflag:s6] =	ssyncadd.s32 $0xFFFFCE00  }
0x1e0: {  	[tilespmem:s8], [sflag:$0x3] =	stream.indirect.gather [spmem:s3], $0x1, s12, s11, $0xb8;
	[tilespmem:$0x1BC28] =	vst v63  }
0x1e1: {  	_ =	swait.ge [sflag:s7], $0x3200  }
0x1e2: {  	[sflag:s7] =	ssyncset.done $0x0  }
0x1e3: {  	s21 =	rddreg [dreg:$0xd];
	[sflag:s7] =	ssyncadd.s32 $0xFFFFCE00  }
0x1e4: {  	[hbm4b:s21+s2] =	stream.linear.scatter [tilespmem:s5], [sflag:$0x6], $0x3200, $0x38;
	[tilespmem:$0x1BC28] =	vst v63  }
0x1e5: {  	s22 =	rddreg [dreg:$0xe]  }
0x1e6: {  	[tilespmem:s10], [sflag:$0x2] =	stream.linear.gather [hbm4b:s22+s2], $0x3200, $0x38;
	[tilespmem:$0x1BC28] =	vst v63  }
0x1e7: {  	_ =	swait.ge [sflag:s13], $0x3200  }
0x1e8: {  	[sflag:s13] =	ssyncset.done $0x0  }
0x1e9: {  	[sflag:s13] =	ssyncadd.s32 $0xFFFFCE00  }
0x1ea: {  	_ =	swait.ge [sflag:s4], $0x3200  }
0x1eb: {  	[sflag:s4] =	ssyncset.done $0x0  }
0x1ec: {  	[sflag:s4] =	ssyncadd.s32 $0xFFFFCE00  }
0x1ed: {  	[tilespmem:s5], [sflag:$0x4] =	stream.indirect.gather [spmem:s3], $0x1, s10, s11, $0xb8;
	[tilespmem:$0x1BC28] =	vst v63  }
0x1ee: {  	_ =	swait.ge [sflag:s9], $0x3200  }
0x1ef: {  	[sflag:s9] =	ssyncset.done $0x0  }
0x1f0: {  	s23 =	rddreg [dreg:$0xf];
	[sflag:s9] =	ssyncadd.s32 $0xFFFFCE00  }
0x1f1: {  	[hbm4b:s23+s2] =	stream.linear.scatter [tilespmem:s8], [sflag:$0x5], $0x3200, $0x38;
	[tilespmem:$0x1BC28] =	vst v63  }
0x1f2: {  	s24 =	rddreg [dreg:$0x10]  }
0x1f3: {  	[tilespmem:s12], [sflag:$0x1] =	stream.linear.gather [hbm4b:s24+s2], $0x3200, $0x38;
	[tilespmem:$0x1BC28] =	vst v63  }
0x1f4: {  	_ =	swait.ge [sflag:s14], $0x3200  }
0x1f5: {  	[sflag:s14] =	ssyncset.done $0x0  }
0x1f6: {  	[sflag:s14] =	ssyncadd.s32 $0xFFFFCE00  }
0x1f7: {  	_ =	swait.ge [sflag:s6], $0x3200  }
0x1f8: {  	[sflag:s6] =	ssyncset.done $0x0  }
0x1f9: {  	[sflag:s6] =	ssyncadd.s32 $0xFFFFCE00  }
0x1fa: {  	[tilespmem:s8], [sflag:$0x3] =	stream.indirect.gather [spmem:s3], $0x1, s12, s11, $0xb8;
	[tilespmem:$0x1BC28] =	vst v63  }
0x1fb: {  	_ =	swait.ge [sflag:s7], $0x3200  }
0x1fc: {  	[sflag:s7] =	ssyncset.done $0x0  }
0x1fd: {  	s25 =	rddreg [dreg:$0x11];
	[sflag:s7] =	ssyncadd.s32 $0xFFFFCE00  }
0x1fe: {  	[hbm4b:s25+s2] =	stream.linear.scatter [tilespmem:s5], [sflag:$0x6], $0x3200, $0x38;
	[tilespmem:$0x1BC28] =	vst v63  }
0x1ff: {  	s26 =	rddreg [dreg:$0x12]  }
0x200: {  	[tilespmem:s10], [sflag:$0x2] =	stream.linear.gather [hbm4b:s26+s2], $0x3200, $0x38;
	[tilespmem:$0x1BC28] =	vst v63  }
0x201: {  	_ =	swait.ge [sflag:s13], $0x3200  }
0x202: {  	[sflag:s13] =	ssyncset.done $0x0  }
0x203: {  	[sflag:s13] =	ssyncadd.s32 $0xFFFFCE00  }
0x204: {  	_ =	swait.ge [sflag:s4], $0x3200  }
0x205: {  	[sflag:s4] =	ssyncset.done $0x0  }
0x206: {  	[sflag:s4] =	ssyncadd.s32 $0xFFFFCE00  }
0x207: {  	[tilespmem:s5], [sflag:$0x4] =	stream.indirect.gather [spmem:s3], $0x1, s10, s11, $0xb8;
	[tilespmem:$0x1BC28] =	vst v63  }
0x208: {  	_ =	swait.ge [sflag:s9], $0x3200  }
0x209: {  	[sflag:s9] =	ssyncset.done $0x0  }
0x20a: {  	s30 =	rddreg [dreg:$0x13];
	[sflag:s9] =	ssyncadd.s32 $0xFFFFCE00  }
0x20b: {  	[hbm4b:s30+s2] =	stream.linear.scatter [tilespmem:s8], [sflag:$0x5], $0x3200, $0x38;
	[tilespmem:$0x1BC28] =	vst v63  }
0x20c: {  	_ =	swait.ge [sflag:s7], $0x3200  }
0x20d: {  	[sflag:s7] =	ssyncset.done $0x0  }
0x20e: {  	s31 =	rddreg [dreg:$0x14];
	[sflag:s7] =	ssyncadd.s32 $0xFFFFCE00  }
0x20f: {  	[hbm4b:s31+s2] =	stream.linear.scatter [tilespmem:s5], [sflag:$0x6], $0x3200, $0x38;
	[tilespmem:$0x1BC28] =	vst v63  }
0x210: {  	_ =	swait.ge [sflag:s6], $0x3200  }
0x211: {  	[sflag:s6] =	ssyncset.done $0x0  }
0x212: {  	[sflag:s6] =	ssyncadd.s32 $0xFFFFCE00  }
0x213: {  	_ =	swait.ge [sflag:s4], $0x3200  }
0x214: {  	[sflag:s4] =	ssyncset.done $0x0  }
0x215: {  	[sflag:s4] =	ssyncadd.s32 $0xFFFFCE00  }
0x216: {  	_ =	sfence.sel $0x180000  }
0x217: {  	[bflag:$0x0] =	sbarrier.arrive $0xFFFF  }
0x218: {  	p0 =	sne.s32 s28, $0x0;
	_ =	strace $0x90000047  }
0x219: {  	s0 =	sadd.s32 @!p0 $0x100000, s29;
	[bflag:$0x2] =	sbarrier.arrive $0xFFFF  }
0x21a: {  	[sflag:s0] =	ssyncadd.tile.s32 @!p0 $0x1;
	_ =	shalt  }
.LBB2_2:
.Ltmp3:
0x21b: {  	(pc) =	sbr.rel .LBB2_5-.Ltmp3, $2  }
0x21c: {  	_ =	sdelay $0x2  }
0x21d: {  	s28 =	stileid.u32;
	s29 =	rddreg [dreg:$0x4]  }
.Lfunc_end2:
_tile_overlayer_lowered:
.L_overlay_start_2:
0x21e: {  	(tag) =	ssettag $0x2  }
0x21f: {  	s0 =	rddreg [dreg:$0x0];
	s2 =	stileid.u32  }
0x220: {  	s1 =	rddreg [dreg:$0x1];
	p0 =	sne.s32 s2, $0x0  }
0x221: {  	s3 =	rddreg [dreg:$0x2];
	[bflag:$0x3] =	sbarrier.arrive $0xFFFF;
	s2 =	simm.s32 @!p0 $0x1C07  }
0x222: {  	[timem:s3], [sflag:s2] =	dma.local @!p0 [hbm:s0], s1  }
0x223: {  	s0 =	simm.s32 @!p0 $0x7  }
0x224: {  	_ =	swait.ge @!p0 [sflag:s0], s1  }
0x225: {  	s1 =	ssub.s32 @!p0 $0x0, s1;
	[sflag:s0] =	ssyncset.done @!p0 $0x0  }
0x226: {  	[sflag:s0] =	ssyncadd.s32 @!p0 s1  }
0x227: {  	[bflag:$0x3] =	sbarrier.arrive $0xFFFF  }
0x228: {  	_ =	shalt  }

</sc_bundles>
